<compile_context>
chip_gen: v7x
topology: tpu7x:2x2x1
jax: 0.10.2.dev20260603
libtpu: 0.0.44.dev20260713+nightly
codegen_flags: <defaults>
</compile_context>

<pallas_src>
import jax
import jax.numpy as jnp
from jax import lax
from jax.experimental import pallas as pl
from jax.experimental.pallas import tpu as pltpu
from jax.experimental.pallas import tpu_sc as plsc

_NC = 2
_NS = 16
_NW = _NC * _NS
_L = 16

_BATCH = 4096
_BPW = _BATCH // _NW
_DIM = 128
_HALF = 64
_NUM_REL = 1000
_ACC = 4

_S1 = 0.9999788726879895
_S3 = -0.16649714106979646
_S5 = 0.007992247366759672
_C0 = 0.9999998110259923
_C2 = -0.49999394332144725
_C4 = 0.0416363038739887
_C6 = -0.001340053632153032


def _sc_body(h_hbm, r_hbm, t_hbm, ent_hbm, rel_hbm, out_hbm,
             h_idx, r_idx, t_idx, h_rows, t_rows, rel_v, c_rows, s_rows,
             sq_v, out_v, sem_h, sem_t, sem_p):
    wid = lax.axis_index("s") * _NC + lax.axis_index("c")
    base = wid * _BPW

    pltpu.sync_copy(h_hbm.at[pl.ds(base, _BPW)], h_idx)
    pltpu.sync_copy(r_hbm.at[pl.ds(base, _BPW)], r_idx)
    pltpu.sync_copy(t_hbm.at[pl.ds(base, _BPW)], t_idx)

    cr = pltpu.async_copy(rel_hbm.at[r_idx], rel_v, sem_p)
    ch = pltpu.async_copy(ent_hbm.at[h_idx], h_rows, sem_h)
    ct = pltpu.async_copy(ent_hbm.at[t_idx], t_rows, sem_t)

    cr.wait()

    def cs_step(i, carry):
        for k in range(_HALF // _L):
            ph = rel_v[i, pl.ds(k * _L, _L)]
            x2 = ph * ph
            s_rows[i, pl.ds(k * _L, _L)] = ph * (_S1 + x2 * (_S3 + x2 * _S5))
            c_rows[i, pl.ds(k * _L, _L)] = _C0 + x2 * (_C2 + x2 * (_C4 + x2 * _C6))
        return carry

    lax.fori_loop(0, _BPW, cs_step, 0)

    ch.wait()
    ct.wait()

    lanes = lax.iota(jnp.int32, _L)
    last_lane = lanes == (_L - 1)

    def e_step(i, carry):
        acc = jnp.zeros((_L,), jnp.float32)
        for k in range(_HALF // _L):
            h_re = h_rows[i, pl.ds(k * _L, _L)]
            h_im = h_rows[i, pl.ds(_HALF + k * _L, _L)]
            t_re = t_rows[i, pl.ds(k * _L, _L)]
            t_im = t_rows[i, pl.ds(_HALF + k * _L, _L)]
            c = c_rows[i, pl.ds(k * _L, _L)]
            s = s_rows[i, pl.ds(k * _L, _L)]
            a_v = h_re * t_re + h_im * t_im
            b_v = h_re * t_im - h_im * t_re
            sq = (h_re * h_re + h_im * h_im) + (t_re * t_re + t_im * t_im)
            acc = acc + (sq - 2.0 * (c * a_v + s * b_v))
        cum = plsc.cumsum(acc)
        plsc.store_scatter(sq_v, [jnp.full((_L,), 0, jnp.int32) + i], cum,
                           mask=last_lane)
        return carry

    lax.fori_loop(0, _BPW, e_step, 0)

    for g in range(_BPW // _L):
        acc = sq_v[pl.ds(g * _L, _L)]
        acc = jnp.maximum(acc, 0.0)
        bits = plsc.bitcast(acc, jnp.int32)
        y = plsc.bitcast(jnp.int32(0x5F3759DF) - (bits >> 1), jnp.float32)
        for _ in range(3):
            y = y * (1.5 - 0.5 * acc * y * y)
        root = jnp.where(acc > 0.0, acc * y, 0.0)
        out_v[pl.ds(g * _L, _L)] = -root

    pltpu.sync_copy(out_v, out_hbm.at[pl.ds(base, _BPW)])


_sc_kernel = pl.kernel(
    _sc_body,
    out_type=jax.ShapeDtypeStruct((_BATCH,), jnp.float32),
    mesh=plsc.VectorSubcoreMesh(
        core_axis_name="c", subcore_axis_name="s",
        num_cores=_NC, num_subcores=_NS),
    scratch_types=[
        pltpu.VMEM((_BPW,), jnp.int32),
        pltpu.VMEM((_BPW,), jnp.int32),
        pltpu.VMEM((_BPW,), jnp.int32),
        pltpu.VMEM((_BPW, _DIM), jnp.float32),
        pltpu.VMEM((_BPW, _DIM), jnp.float32),
        pltpu.VMEM((_BPW, _HALF), jnp.float32),
        pltpu.VMEM((_BPW, _HALF), jnp.float32),
        pltpu.VMEM((_BPW, _HALF), jnp.float32),
        pltpu.VMEM((_BPW,), jnp.float32),
        pltpu.VMEM((_BPW,), jnp.float32),
        pltpu.SemaphoreType.DMA,
        pltpu.SemaphoreType.DMA,
        pltpu.SemaphoreType.DMA,
    ],
    compiler_params=pltpu.CompilerParams(needs_layout_passes=False, use_tc_tiling_on_sc=False),
)


@jax.jit
def kernel(h, r, t, entity_embedding, relation_embedding):
    return _sc_kernel(h.astype(jnp.int32), r.astype(jnp.int32),
                      t.astype(jnp.int32), entity_embedding,
                      relation_embedding)

# --- scband reference (transcript-rebuilt; emitter-appended) ---
"""Pipeline reference for scband-rotat-e-79714593014198 (READ-ONLY COPY).

The authoritative reference and input builder live on the scoring server;
editing this copy changes nothing except your own understanding.
"""

import jax, jax.numpy as jnp
import numpy as np

NUM_ENTITIES = 100000
NUM_RELATIONS = 1000
EMBEDDING_DIM = 128
HALF_DIM = EMBEDDING_DIM // 2
BATCH = 4096


def setup_inputs(seed: int = 0) -> dict:
    key = jax.random.key(seed)
    k1, k2, k3, k4, k5 = jax.random.split(key, 5)
    h = jax.random.randint(k1, (BATCH,), 0, NUM_ENTITIES, dtype=jnp.int64 if jax.config.jax_enable_x64 else jnp.int32)
    r = jax.random.randint(k2, (BATCH,), 0, NUM_RELATIONS, dtype=jnp.int64 if jax.config.jax_enable_x64 else jnp.int32)
    t = jax.random.randint(k3, (BATCH,), 0, NUM_ENTITIES, dtype=jnp.int64 if jax.config.jax_enable_x64 else jnp.int32)
    # xavier_uniform for entity table: bound = sqrt(6/(fan_in+fan_out))
    bound_e = float(np.sqrt(6.0 / (NUM_ENTITIES + EMBEDDING_DIM)))
    entity_embedding = jax.random.uniform(k4, (NUM_ENTITIES, EMBEDDING_DIM), minval=-bound_e, maxval=bound_e, dtype=jnp.float32)
    # relation phase table (half_dim so complex rotation shapes line up), L2-normalized rows
    bound_r = float(np.sqrt(6.0 / (NUM_RELATIONS + HALF_DIM)))
    rel = jax.random.uniform(k5, (NUM_RELATIONS, HALF_DIM), minval=-bound_r, maxval=bound_r, dtype=jnp.float32)
    relation_embedding = rel / (jnp.linalg.norm(rel, axis=1, keepdims=True) + 1e-12)
    return {"h": h, "r": r, "t": t, "entity_embedding": entity_embedding, "relation_embedding": relation_embedding}


def reference(h, r, t, entity_embedding, relation_embedding):
    h_emb = jnp.take(entity_embedding, h, axis=0)
    t_emb = jnp.take(entity_embedding, t, axis=0)
    h_re, h_im = h_emb[:, :HALF_DIM], h_emb[:, HALF_DIM:]
    t_re, t_im = t_emb[:, :HALF_DIM], t_emb[:, HALF_DIM:]
    r_phase = jnp.take(relation_embedding, r, axis=0)
    r_re = jnp.cos(r_phase)
    r_im = jnp.sin(r_phase)
    h_rot_re = h_re * r_re - h_im * r_im
    h_rot_im = h_re * r_im + h_im * r_re
    diff_re = h_rot_re - t_re
    diff_im = h_rot_im - t_im
    diff = jnp.concatenate([diff_re, diff_im], axis=1)
    score = jnp.linalg.norm(diff, ord=2, axis=1)
    return -score

if __name__ == "__main__":
    import jax
    _d = setup_inputs()
    print(jax.jit(kernel)(*tuple(_d.values())))

</pallas_src>

<mosaic_0001>
#map = affine_map<(d0, d1) -> (0)>
#map1 = affine_map<(d0, d1) -> (0, 0)>
module attributes {stable_mosaic.version = 14 : i64} {
  func.func @_sc_body(%arg0: i32, %arg1: i32, %arg2: memref<4096xi32, #tpu.memory_space<hbm>>, %arg3: memref<4096xi32, #tpu.memory_space<hbm>>, %arg4: memref<4096xi32, #tpu.memory_space<hbm>>, %arg5: memref<100000x128xf32, #tpu.memory_space<hbm>>, %arg6: memref<1000x64xf32, #tpu.memory_space<hbm>>, %arg7: memref<4096xf32, #tpu.memory_space<hbm>>, %arg8: memref<128xi32, #tpu.memory_space<vmem>>, %arg9: memref<128xi32, #tpu.memory_space<vmem>>, %arg10: memref<128xi32, #tpu.memory_space<vmem>>, %arg11: memref<128x128xf32, #tpu.memory_space<vmem>>, %arg12: memref<128x128xf32, #tpu.memory_space<vmem>>, %arg13: memref<128x64xf32, #tpu.memory_space<vmem>>, %arg14: memref<128x64xf32, #tpu.memory_space<vmem>>, %arg15: memref<128x64xf32, #tpu.memory_space<vmem>>, %arg16: memref<128xf32, #tpu.memory_space<vmem>>, %arg17: memref<128xf32, #tpu.memory_space<vmem>>, %arg18: memref<!tpu.dma_semaphore, #tpu.memory_space<semaphore_mem>>, %arg19: memref<!tpu.dma_semaphore, #tpu.memory_space<semaphore_mem>>, %arg20: memref<!tpu.dma_semaphore, #tpu.memory_space<semaphore_mem>>) attributes {dimension_semantics = [#tpu.dimension_semantics<core_parallel>, #tpu.dimension_semantics<subcore_parallel>], iteration_bounds = array<i64: 2, 16>, scalar_prefetch = 0 : i64, scratch_operands = 13 : i64, tpu.core_type = #tpu.core_type<sc_vector_subcore>, window_params = [{transform_indices = #map}, {transform_indices = #map}, {transform_indices = #map}, {transform_indices = #map1}, {transform_indices = #map1}, {transform_indices = #map}]} {
    %mul3A = arith.constant 2 : i32
    %mul3A_0 = arith.muli %arg1, %mul3A : i32
    %add3A = arith.addi %mul3A_0, %arg0 : i32
    %mul3A_1 = arith.constant 128 : i32
    %mul3A_2 = arith.muli %add3A, %mul3A_1 : i32
    "tpu.region"() ({
      %run_scoped3A = tpu.sem_alloc : memref<!tpu.dma_semaphore, #tpu.memory_space<semaphore_mem>>
      %dma_start3A_437 = tpu.memref_slice %arg2[%mul3A_2] : memref<4096xi32, #tpu.memory_space<hbm>> -> memref<128xi32, #tpu.memory_space<hbm>>
      %dma_start3A_438 = tpu.memref_slice %arg2[%mul3A_2] : memref<4096xi32, #tpu.memory_space<hbm>> -> memref<128xi32, #tpu.memory_space<hbm>>
      tpu.enqueue_dma source(%dma_start3A_438 : memref<128xi32, #tpu.memory_space<hbm>>) target(%arg8 : memref<128xi32, #tpu.memory_space<vmem>>) target_semaphore(%run_scoped3A : memref<!tpu.dma_semaphore, #tpu.memory_space<semaphore_mem>>)
      %dma_wait3A_439 = tpu.memref_slice %arg2[%mul3A_2] : memref<4096xi32, #tpu.memory_space<hbm>> -> memref<128xi32, #tpu.memory_space<hbm>>
      %dma_wait3A_440 = tpu.memref_slice %arg2[%mul3A_2] : memref<4096xi32, #tpu.memory_space<hbm>> -> memref<128xi32, #tpu.memory_space<hbm>>
      tpu.wait_dma2 semaphore(%run_scoped3A : memref<!tpu.dma_semaphore, #tpu.memory_space<semaphore_mem>>) src(%dma_wait3A_440 : memref<128xi32, #tpu.memory_space<hbm>>) dst(%arg8 : memref<128xi32, #tpu.memory_space<vmem>>)
      tpu.yield
    }) : () -> ()
    "tpu.region"() ({
      %run_scoped3A = tpu.sem_alloc : memref<!tpu.dma_semaphore, #tpu.memory_space<semaphore_mem>>
      %dma_start3A_437 = tpu.memref_slice %arg3[%mul3A_2] : memref<4096xi32, #tpu.memory_space<hbm>> -> memref<128xi32, #tpu.memory_space<hbm>>
      %dma_start3A_438 = tpu.memref_slice %arg3[%mul3A_2] : memref<4096xi32, #tpu.memory_space<hbm>> -> memref<128xi32, #tpu.memory_space<hbm>>
      tpu.enqueue_dma source(%dma_start3A_438 : memref<128xi32, #tpu.memory_space<hbm>>) target(%arg9 : memref<128xi32, #tpu.memory_space<vmem>>) target_semaphore(%run_scoped3A : memref<!tpu.dma_semaphore, #tpu.memory_space<semaphore_mem>>)
      %dma_wait3A_439 = tpu.memref_slice %arg3[%mul3A_2] : memref<4096xi32, #tpu.memory_space<hbm>> -> memref<128xi32, #tpu.memory_space<hbm>>
      %dma_wait3A_440 = tpu.memref_slice %arg3[%mul3A_2] : memref<4096xi32, #tpu.memory_space<hbm>> -> memref<128xi32, #tpu.memory_space<hbm>>
      tpu.wait_dma2 semaphore(%run_scoped3A : memref<!tpu.dma_semaphore, #tpu.memory_space<semaphore_mem>>) src(%dma_wait3A_440 : memref<128xi32, #tpu.memory_space<hbm>>) dst(%arg9 : memref<128xi32, #tpu.memory_space<vmem>>)
      tpu.yield
    }) : () -> ()
    "tpu.region"() ({
      %run_scoped3A = tpu.sem_alloc : memref<!tpu.dma_semaphore, #tpu.memory_space<semaphore_mem>>
      %dma_start3A_437 = tpu.memref_slice %arg4[%mul3A_2] : memref<4096xi32, #tpu.memory_space<hbm>> -> memref<128xi32, #tpu.memory_space<hbm>>
      %dma_start3A_438 = tpu.memref_slice %arg4[%mul3A_2] : memref<4096xi32, #tpu.memory_space<hbm>> -> memref<128xi32, #tpu.memory_space<hbm>>
      tpu.enqueue_dma source(%dma_start3A_438 : memref<128xi32, #tpu.memory_space<hbm>>) target(%arg10 : memref<128xi32, #tpu.memory_space<vmem>>) target_semaphore(%run_scoped3A : memref<!tpu.dma_semaphore, #tpu.memory_space<semaphore_mem>>)
      %dma_wait3A_439 = tpu.memref_slice %arg4[%mul3A_2] : memref<4096xi32, #tpu.memory_space<hbm>> -> memref<128xi32, #tpu.memory_space<hbm>>
      %dma_wait3A_440 = tpu.memref_slice %arg4[%mul3A_2] : memref<4096xi32, #tpu.memory_space<hbm>> -> memref<128xi32, #tpu.memory_space<hbm>>
      tpu.wait_dma2 semaphore(%run_scoped3A : memref<!tpu.dma_semaphore, #tpu.memory_space<semaphore_mem>>) src(%dma_wait3A_440 : memref<128xi32, #tpu.memory_space<hbm>>) dst(%arg10 : memref<128xi32, #tpu.memory_space<vmem>>)
      tpu.yield
    }) : () -> ()
    %dma_start3A = arith.constant 0 : i32
    %dma_start3A_3 = arith.constant 0 : i32
    %dma_start3A_4 = tpu.memref_slice %arg6[%dma_start3A, %dma_start3A_3] : memref<1000x64xf32, #tpu.memory_space<hbm>> -> memref<1000x64xf32, #tpu.memory_space<hbm>>
    tpu.enqueue_indirect_dma source(%dma_start3A_4 : memref<1000x64xf32, #tpu.memory_space<hbm>>) target(%arg13 : memref<128x64xf32, #tpu.memory_space<vmem>>) offsets(%arg9 : memref<128xi32, #tpu.memory_space<vmem>>) semaphore(%arg20 : memref<!tpu.dma_semaphore, #tpu.memory_space<semaphore_mem>>)
    %dma_start3A_5 = arith.constant 0 : i32
    %dma_start3A_6 = arith.constant 0 : i32
    %dma_start3A_7 = tpu.memref_slice %arg5[%dma_start3A_5, %dma_start3A_6] : memref<100000x128xf32, #tpu.memory_space<hbm>> -> memref<100000x128xf32, #tpu.memory_space<hbm>>
    tpu.enqueue_indirect_dma source(%dma_start3A_7 : memref<100000x128xf32, #tpu.memory_space<hbm>>) target(%arg11 : memref<128x128xf32, #tpu.memory_space<vmem>>) offsets(%arg8 : memref<128xi32, #tpu.memory_space<vmem>>) semaphore(%arg18 : memref<!tpu.dma_semaphore, #tpu.memory_space<semaphore_mem>>)
    %dma_start3A_8 = arith.constant 0 : i32
    %dma_start3A_9 = arith.constant 0 : i32
    %dma_start3A_10 = tpu.memref_slice %arg5[%dma_start3A_8, %dma_start3A_9] : memref<100000x128xf32, #tpu.memory_space<hbm>> -> memref<100000x128xf32, #tpu.memory_space<hbm>>
    tpu.enqueue_indirect_dma source(%dma_start3A_10 : memref<100000x128xf32, #tpu.memory_space<hbm>>) target(%arg12 : memref<128x128xf32, #tpu.memory_space<vmem>>) offsets(%arg10 : memref<128xi32, #tpu.memory_space<vmem>>) semaphore(%arg19 : memref<!tpu.dma_semaphore, #tpu.memory_space<semaphore_mem>>)
    %dma_wait3A = arith.constant 0 : i32
    %dma_wait3A_11 = arith.constant 0 : i32
    %dma_wait3A_12 = tpu.memref_slice %arg6[%dma_wait3A, %dma_wait3A_11] : memref<1000x64xf32, #tpu.memory_space<hbm>> -> memref<1000x64xf32, #tpu.memory_space<hbm>>
    tpu.wait_indirect_dma semaphore(%arg20 : memref<!tpu.dma_semaphore, #tpu.memory_space<semaphore_mem>>) src(%dma_wait3A_12 : memref<1000x64xf32, #tpu.memory_space<hbm>>) dst(%arg13 : memref<128x64xf32, #tpu.memory_space<vmem>>)
    %scan3A = arith.constant 0 : i32
    %scan3A_13 = arith.constant 0 : i32
    %scan3A_14 = arith.constant 128 : i32
    %scan3A_15 = arith.addi %scan3A_13, %scan3A_14 : i32
    %scan3A_16 = arith.constant 1 : i32
    scf.for %scan3A_437 = %scan3A_13 to %scan3A_15 step %scan3A_16  : i32 {
      %get3A_438 = arith.index_cast %scan3A_437 : i32 to index
      %get3A_439 = arith.constant 0 : index
      %get3A_440 = tpu.vector_load %arg13[%get3A_438, %get3A_439] {strides = array<i32>} : memref<128x64xf32, #tpu.memory_space<vmem>>, vector<16xf32>,
      %mul3A_441 = arith.mulf %get3A_440, %get3A_440 : vector<16xf32>
      %mul3A_442 = arith.constant 0.00799224711 : f32
      %mul3A_443 = vector.broadcast %mul3A_442 : f32 to vector<16xf32>
      %mul3A_444 = arith.mulf %mul3A_441, %mul3A_443 : vector<16xf32>
      %add3A_445 = arith.constant -0.166497141 : f32
      %add3A_446 = vector.broadcast %add3A_445 : f32 to vector<16xf32>
      %add3A_447 = arith.addf %add3A_446, %mul3A_444 : vector<16xf32>
      %mul3A_448 = arith.mulf %mul3A_441, %add3A_447 : vector<16xf32>
      %add3A_449 = arith.constant 0.999978899 : f32
      %add3A_450 = vector.broadcast %add3A_449 : f32 to vector<16xf32>
      %add3A_451 = arith.addf %add3A_450, %mul3A_448 : vector<16xf32>
      %mul3A_452 = arith.mulf %get3A_440, %add3A_451 : vector<16xf32>
      %swap3A_453 = arith.index_cast %scan3A_437 : i32 to index
      %swap3A_454 = arith.constant 0 : index
      %swap3A_455 = tpu.vector_load %arg15[%swap3A_453, %swap3A_454] {strides = array<i32>} : memref<128x64xf32, #tpu.memory_space<vmem>>, vector<16xf32>,
      tpu.vector_store %arg15[%swap3A_453, %swap3A_454], %mul3A_452 {strides = array<i32>} : memref<128x64xf32, #tpu.memory_space<vmem>>, vector<16xf32>,
      %mul3A_456 = arith.constant -0.00134005363 : f32
      %mul3A_457 = vector.broadcast %mul3A_456 : f32 to vector<16xf32>
      %mul3A_458 = arith.mulf %mul3A_441, %mul3A_457 : vector<16xf32>
      %add3A_459 = arith.constant 0.0416363031 : f32
      %add3A_460 = vector.broadcast %add3A_459 : f32 to vector<16xf32>
      %add3A_461 = arith.addf %add3A_460, %mul3A_458 : vector<16xf32>
      %mul3A_462 = arith.mulf %mul3A_441, %add3A_461 : vector<16xf32>
      %add3A_463 = arith.constant -0.49999395 : f32
      %add3A_464 = vector.broadcast %add3A_463 : f32 to vector<16xf32>
      %add3A_465 = arith.addf %add3A_464, %mul3A_462 : vector<16xf32>
      %mul3A_466 = arith.mulf %mul3A_441, %add3A_465 : vector<16xf32>
      %add3A_467 = arith.constant 0.999999821 : f32
      %add3A_468 = vector.broadcast %add3A_467 : f32 to vector<16xf32>
      %add3A_469 = arith.addf %add3A_468, %mul3A_466 : vector<16xf32>
      %swap3A_470 = arith.index_cast %scan3A_437 : i32 to index
      %swap3A_471 = arith.constant 0 : index
      %swap3A_472 = tpu.vector_load %arg14[%swap3A_470, %swap3A_471] {strides = array<i32>} : memref<128x64xf32, #tpu.memory_space<vmem>>, vector<16xf32>,
      tpu.vector_store %arg14[%swap3A_470, %swap3A_471], %add3A_469 {strides = array<i32>} : memref<128x64xf32, #tpu.memory_space<vmem>>, vector<16xf32>,
      %get3A_473 = arith.index_cast %scan3A_437 : i32 to index
      %get3A_474 = arith.constant 16 : index
      %get3A_475 = tpu.vector_load %arg13[%get3A_473, %get3A_474] {strides = array<i32>} : memref<128x64xf32, #tpu.memory_space<vmem>>, vector<16xf32>,
      %mul3A_476 = arith.mulf %get3A_475, %get3A_475 : vector<16xf32>
      %mul3A_477 = arith.constant 0.00799224711 : f32
      %mul3A_478 = vector.broadcast %mul3A_477 : f32 to vector<16xf32>
      %mul3A_479 = arith.mulf %mul3A_476, %mul3A_478 : vector<16xf32>
      %add3A_480 = arith.constant -0.166497141 : f32
      %add3A_481 = vector.broadcast %add3A_480 : f32 to vector<16xf32>
      %add3A_482 = arith.addf %add3A_481, %mul3A_479 : vector<16xf32>
      %mul3A_483 = arith.mulf %mul3A_476, %add3A_482 : vector<16xf32>
      %add3A_484 = arith.constant 0.999978899 : f32
      %add3A_485 = vector.broadcast %add3A_484 : f32 to vector<16xf32>
      %add3A_486 = arith.addf %add3A_485, %mul3A_483 : vector<16xf32>
      %mul3A_487 = arith.mulf %get3A_475, %add3A_486 : vector<16xf32>
      %swap3A_488 = arith.index_cast %scan3A_437 : i32 to index
      %swap3A_489 = arith.constant 16 : index
      %swap3A_490 = tpu.vector_load %arg15[%swap3A_488, %swap3A_489] {strides = array<i32>} : memref<128x64xf32, #tpu.memory_space<vmem>>, vector<16xf32>,
      tpu.vector_store %arg15[%swap3A_488, %swap3A_489], %mul3A_487 {strides = array<i32>} : memref<128x64xf32, #tpu.memory_space<vmem>>, vector<16xf32>,
      %mul3A_491 = arith.constant -0.00134005363 : f32
      %mul3A_492 = vector.broadcast %mul3A_491 : f32 to vector<16xf32>
      %mul3A_493 = arith.mulf %mul3A_476, %mul3A_492 : vector<16xf32>
      %add3A_494 = arith.constant 0.0416363031 : f32
      %add3A_495 = vector.broadcast %add3A_494 : f32 to vector<16xf32>
      %add3A_496 = arith.addf %add3A_495, %mul3A_493 : vector<16xf32>
      %mul3A_497 = arith.mulf %mul3A_476, %add3A_496 : vector<16xf32>
      %add3A_498 = arith.constant -0.49999395 : f32
      %add3A_499 = vector.broadcast %add3A_498 : f32 to vector<16xf32>
      %add3A_500 = arith.addf %add3A_499, %mul3A_497 : vector<16xf32>
      %mul3A_501 = arith.mulf %mul3A_476, %add3A_500 : vector<16xf32>
      %add3A_502 = arith.constant 0.999999821 : f32
      %add3A_503 = vector.broadcast %add3A_502 : f32 to vector<16xf32>
      %add3A_504 = arith.addf %add3A_503, %mul3A_501 : vector<16xf32>
      %swap3A_505 = arith.index_cast %scan3A_437 : i32 to index
      %swap3A_506 = arith.constant 16 : index
      %swap3A_507 = tpu.vector_load %arg14[%swap3A_505, %swap3A_506] {strides = array<i32>} : memref<128x64xf32, #tpu.memory_space<vmem>>, vector<16xf32>,
      tpu.vector_store %arg14[%swap3A_505, %swap3A_506], %add3A_504 {strides = array<i32>} : memref<128x64xf32, #tpu.memory_space<vmem>>, vector<16xf32>,
      %get3A_508 = arith.index_cast %scan3A_437 : i32 to index
      %get3A_509 = arith.constant 32 : index
      %get3A_510 = tpu.vector_load %arg13[%get3A_508, %get3A_509] {strides = array<i32>} : memref<128x64xf32, #tpu.memory_space<vmem>>, vector<16xf32>,
      %mul3A_511 = arith.mulf %get3A_510, %get3A_510 : vector<16xf32>
      %mul3A_512 = arith.constant 0.00799224711 : f32
      %mul3A_513 = vector.broadcast %mul3A_512 : f32 to vector<16xf32>
      %mul3A_514 = arith.mulf %mul3A_511, %mul3A_513 : vector<16xf32>
      %add3A_515 = arith.constant -0.166497141 : f32
      %add3A_516 = vector.broadcast %add3A_515 : f32 to vector<16xf32>
      %add3A_517 = arith.addf %add3A_516, %mul3A_514 : vector<16xf32>
      %mul3A_518 = arith.mulf %mul3A_511, %add3A_517 : vector<16xf32>
      %add3A_519 = arith.constant 0.999978899 : f32
      %add3A_520 = vector.broadcast %add3A_519 : f32 to vector<16xf32>
      %add3A_521 = arith.addf %add3A_520, %mul3A_518 : vector<16xf32>
      %mul3A_522 = arith.mulf %get3A_510, %add3A_521 : vector<16xf32>
      %swap3A_523 = arith.index_cast %scan3A_437 : i32 to index
      %swap3A_524 = arith.constant 32 : index
      %swap3A_525 = tpu.vector_load %arg15[%swap3A_523, %swap3A_524] {strides = array<i32>} : memref<128x64xf32, #tpu.memory_space<vmem>>, vector<16xf32>,
      tpu.vector_store %arg15[%swap3A_523, %swap3A_524], %mul3A_522 {strides = array<i32>} : memref<128x64xf32, #tpu.memory_space<vmem>>, vector<16xf32>,
      %mul3A_526 = arith.constant -0.00134005363 : f32
      %mul3A_527 = vector.broadcast %mul3A_526 : f32 to vector<16xf32>
      %mul3A_528 = arith.mulf %mul3A_511, %mul3A_527 : vector<16xf32>
      %add3A_529 = arith.constant 0.0416363031 : f32
      %add3A_530 = vector.broadcast %add3A_529 : f32 to vector<16xf32>
      %add3A_531 = arith.addf %add3A_530, %mul3A_528 : vector<16xf32>
      %mul3A_532 = arith.mulf %mul3A_511, %add3A_531 : vector<16xf32>
      %add3A_533 = arith.constant -0.49999395 : f32
      %add3A_534 = vector.broadcast %add3A_533 : f32 to vector<16xf32>
      %add3A_535 = arith.addf %add3A_534, %mul3A_532 : vector<16xf32>
      %mul3A_536 = arith.mulf %mul3A_511, %add3A_535 : vector<16xf32>
      %add3A_537 = arith.constant 0.999999821 : f32
      %add3A_538 = vector.broadcast %add3A_537 : f32 to vector<16xf32>
      %add3A_539 = arith.addf %add3A_538, %mul3A_536 : vector<16xf32>
      %swap3A_540 = arith.index_cast %scan3A_437 : i32 to index
      %swap3A_541 = arith.constant 32 : index
      %swap3A_542 = tpu.vector_load %arg14[%swap3A_540, %swap3A_541] {strides = array<i32>} : memref<128x64xf32, #tpu.memory_space<vmem>>, vector<16xf32>,
      tpu.vector_store %arg14[%swap3A_540, %swap3A_541], %add3A_539 {strides = array<i32>} : memref<128x64xf32, #tpu.memory_space<vmem>>, vector<16xf32>,
      %get3A_543 = arith.index_cast %scan3A_437 : i32 to index
      %get3A_544 = arith.constant 48 : index
      %get3A_545 = tpu.vector_load %arg13[%get3A_543, %get3A_544] {strides = array<i32>} : memref<128x64xf32, #tpu.memory_space<vmem>>, vector<16xf32>,
      %mul3A_546 = arith.mulf %get3A_545, %get3A_545 : vector<16xf32>
      %mul3A_547 = arith.constant 0.00799224711 : f32
      %mul3A_548 = vector.broadcast %mul3A_547 : f32 to vector<16xf32>
      %mul3A_549 = arith.mulf %mul3A_546, %mul3A_548 : vector<16xf32>
      %add3A_550 = arith.constant -0.166497141 : f32
      %add3A_551 = vector.broadcast %add3A_550 : f32 to vector<16xf32>
      %add3A_552 = arith.addf %add3A_551, %mul3A_549 : vector<16xf32>
      %mul3A_553 = arith.mulf %mul3A_546, %add3A_552 : vector<16xf32>
      %add3A_554 = arith.constant 0.999978899 : f32
      %add3A_555 = vector.broadcast %add3A_554 : f32 to vector<16xf32>
      %add3A_556 = arith.addf %add3A_555, %mul3A_553 : vector<16xf32>
      %mul3A_557 = arith.mulf %get3A_545, %add3A_556 : vector<16xf32>
      %swap3A_558 = arith.index_cast %scan3A_437 : i32 to index
      %swap3A_559 = arith.constant 48 : index
      %swap3A_560 = tpu.vector_load %arg15[%swap3A_558, %swap3A_559] {strides = array<i32>} : memref<128x64xf32, #tpu.memory_space<vmem>>, vector<16xf32>,
      tpu.vector_store %arg15[%swap3A_558, %swap3A_559], %mul3A_557 {strides = array<i32>} : memref<128x64xf32, #tpu.memory_space<vmem>>, vector<16xf32>,
      %mul3A_561 = arith.constant -0.00134005363 : f32
      %mul3A_562 = vector.broadcast %mul3A_561 : f32 to vector<16xf32>
      %mul3A_563 = arith.mulf %mul3A_546, %mul3A_562 : vector<16xf32>
      %add3A_564 = arith.constant 0.0416363031 : f32
      %add3A_565 = vector.broadcast %add3A_564 : f32 to vector<16xf32>
      %add3A_566 = arith.addf %add3A_565, %mul3A_563 : vector<16xf32>
      %mul3A_567 = arith.mulf %mul3A_546, %add3A_566 : vector<16xf32>
      %add3A_568 = arith.constant -0.49999395 : f32
      %add3A_569 = vector.broadcast %add3A_568 : f32 to vector<16xf32>
      %add3A_570 = arith.addf %add3A_569, %mul3A_567 : vector<16xf32>
      %mul3A_571 = arith.mulf %mul3A_546, %add3A_570 : vector<16xf32>
      %add3A_572 = arith.constant 0.999999821 : f32
      %add3A_573 = vector.broadcast %add3A_572 : f32 to vector<16xf32>
      %add3A_574 = arith.addf %add3A_573, %mul3A_571 : vector<16xf32>
      %swap3A_575 = arith.index_cast %scan3A_437 : i32 to index
      %swap3A_576 = arith.constant 48 : index
      %swap3A_577 = tpu.vector_load %arg14[%swap3A_575, %swap3A_576] {strides = array<i32>} : memref<128x64xf32, #tpu.memory_space<vmem>>, vector<16xf32>,
      tpu.vector_store %arg14[%swap3A_575, %swap3A_576], %add3A_574 {strides = array<i32>} : memref<128x64xf32, #tpu.memory_space<vmem>>, vector<16xf32>,
    }
    %scan3A_17 = arith.constant 128 : i32
    %dma_wait3A_18 = arith.constant 0 : i32
    %dma_wait3A_19 = arith.constant 0 : i32
    %dma_wait3A_20 = tpu.memref_slice %arg5[%dma_wait3A_18, %dma_wait3A_19] : memref<100000x128xf32, #tpu.memory_space<hbm>> -> memref<100000x128xf32, #tpu.memory_space<hbm>>
    tpu.wait_indirect_dma semaphore(%arg18 : memref<!tpu.dma_semaphore, #tpu.memory_space<semaphore_mem>>) src(%dma_wait3A_20 : memref<100000x128xf32, #tpu.memory_space<hbm>>) dst(%arg11 : memref<128x128xf32, #tpu.memory_space<vmem>>)
    %dma_wait3A_21 = arith.constant 0 : i32
    %dma_wait3A_22 = arith.constant 0 : i32
    %dma_wait3A_23 = tpu.memref_slice %arg5[%dma_wait3A_21, %dma_wait3A_22] : memref<100000x128xf32, #tpu.memory_space<hbm>> -> memref<100000x128xf32, #tpu.memory_space<hbm>>
    tpu.wait_indirect_dma semaphore(%arg19 : memref<!tpu.dma_semaphore, #tpu.memory_space<semaphore_mem>>) src(%dma_wait3A_23 : memref<100000x128xf32, #tpu.memory_space<hbm>>) dst(%arg12 : memref<128x128xf32, #tpu.memory_space<vmem>>)
    %iota3A = tpu.iota {dimensions = array<i32: 0>} : vector<16xi32>
    %eq3A = arith.constant 15 : i32
    %eq3A_24 = vector.broadcast %eq3A : i32 to vector<16xi32>
    %eq3A_25 = arith.cmpi eq, %iota3A, %eq3A_24 : vector<16xi32>
    %scan3A_26 = arith.constant 0 : i32
    %scan3A_27 = arith.constant 0 : i32
    %scan3A_28 = arith.constant 128 : i32
    %scan3A_29 = arith.addi %scan3A_27, %scan3A_28 : i32
    %scan3A_30 = arith.constant 1 : i32
    scf.for %scan3A_437 = %scan3A_27 to %scan3A_29 step %scan3A_30  : i32 {
      %broadcast_in_dim3A_438 = arith.constant 0.000000e+00 : f32
      %broadcast_in_dim3A_439 = vector.broadcast %broadcast_in_dim3A_438 : f32 to vector<16xf32>
      %get3A_440 = arith.index_cast %scan3A_437 : i32 to index
      %get3A_441 = arith.constant 0 : index
      %get3A_442 = tpu.vector_load %arg11[%get3A_440, %get3A_441] {strides = array<i32>} : memref<128x128xf32, #tpu.memory_space<vmem>>, vector<16xf32>,
      %get3A_443 = arith.index_cast %scan3A_437 : i32 to index
      %get3A_444 = arith.constant 64 : index
      %get3A_445 = tpu.vector_load %arg11[%get3A_443, %get3A_444] {strides = array<i32>} : memref<128x128xf32, #tpu.memory_space<vmem>>, vector<16xf32>,
      %get3A_446 = arith.index_cast %scan3A_437 : i32 to index
      %get3A_447 = arith.constant 0 : index
      %get3A_448 = tpu.vector_load %arg12[%get3A_446, %get3A_447] {strides = array<i32>} : memref<128x128xf32, #tpu.memory_space<vmem>>, vector<16xf32>,
      %get3A_449 = arith.index_cast %scan3A_437 : i32 to index
      %get3A_450 = arith.constant 64 : index
      %get3A_451 = tpu.vector_load %arg12[%get3A_449, %get3A_450] {strides = array<i32>} : memref<128x128xf32, #tpu.memory_space<vmem>>, vector<16xf32>,
      %get3A_452 = arith.index_cast %scan3A_437 : i32 to index
      %get3A_453 = arith.constant 0 : index
      %get3A_454 = tpu.vector_load %arg14[%get3A_452, %get3A_453] {strides = array<i32>} : memref<128x64xf32, #tpu.memory_space<vmem>>, vector<16xf32>,
      %get3A_455 = arith.index_cast %scan3A_437 : i32 to index
      %get3A_456 = arith.constant 0 : index
      %get3A_457 = tpu.vector_load %arg15[%get3A_455, %get3A_456] {strides = array<i32>} : memref<128x64xf32, #tpu.memory_space<vmem>>, vector<16xf32>,
      %mul3A_458 = arith.mulf %get3A_442, %get3A_448 : vector<16xf32>
      %mul3A_459 = arith.mulf %get3A_445, %get3A_451 : vector<16xf32>
      %add3A_460 = arith.addf %mul3A_458, %mul3A_459 : vector<16xf32>
      %mul3A_461 = arith.mulf %get3A_442, %get3A_451 : vector<16xf32>
      %mul3A_462 = arith.mulf %get3A_445, %get3A_448 : vector<16xf32>
      %sub3A_463 = arith.subf %mul3A_461, %mul3A_462 : vector<16xf32>
      %mul3A_464 = arith.mulf %get3A_442, %get3A_442 : vector<16xf32>
      %mul3A_465 = arith.mulf %get3A_445, %get3A_445 : vector<16xf32>
      %add3A_466 = arith.addf %mul3A_464, %mul3A_465 : vector<16xf32>
      %mul3A_467 = arith.mulf %get3A_448, %get3A_448 : vector<16xf32>
      %mul3A_468 = arith.mulf %get3A_451, %get3A_451 : vector<16xf32>
      %add3A_469 = arith.addf %mul3A_467, %mul3A_468 : vector<16xf32>
      %add3A_470 = arith.addf %add3A_466, %add3A_469 : vector<16xf32>
      %mul3A_471 = arith.mulf %get3A_454, %add3A_460 : vector<16xf32>
      %mul3A_472 = arith.mulf %get3A_457, %sub3A_463 : vector<16xf32>
      %add3A_473 = arith.addf %mul3A_471, %mul3A_472 : vector<16xf32>
      %mul3A_474 = arith.constant 2.000000e+00 : f32
      %mul3A_475 = vector.broadcast %mul3A_474 : f32 to vector<16xf32>
      %mul3A_476 = arith.mulf %mul3A_475, %add3A_473 : vector<16xf32>
      %sub3A_477 = arith.subf %add3A_470, %mul3A_476 : vector<16xf32>
      %add3A_478 = arith.addf %broadcast_in_dim3A_439, %sub3A_477 : vector<16xf32>
      %get3A_479 = arith.index_cast %scan3A_437 : i32 to index
      %get3A_480 = arith.constant 16 : index
      %get3A_481 = tpu.vector_load %arg11[%get3A_479, %get3A_480] {strides = array<i32>} : memref<128x128xf32, #tpu.memory_space<vmem>>, vector<16xf32>,
      %get3A_482 = arith.index_cast %scan3A_437 : i32 to index
      %get3A_483 = arith.constant 80 : index
      %get3A_484 = tpu.vector_load %arg11[%get3A_482, %get3A_483] {strides = array<i32>} : memref<128x128xf32, #tpu.memory_space<vmem>>, vector<16xf32>,
      %get3A_485 = arith.index_cast %scan3A_437 : i32 to index
      %get3A_486 = arith.constant 16 : index
      %get3A_487 = tpu.vector_load %arg12[%get3A_485, %get3A_486] {strides = array<i32>} : memref<128x128xf32, #tpu.memory_space<vmem>>, vector<16xf32>,
      %get3A_488 = arith.index_cast %scan3A_437 : i32 to index
      %get3A_489 = arith.constant 80 : index
      %get3A_490 = tpu.vector_load %arg12[%get3A_488, %get3A_489] {strides = array<i32>} : memref<128x128xf32, #tpu.memory_space<vmem>>, vector<16xf32>,
      %get3A_491 = arith.index_cast %scan3A_437 : i32 to index
      %get3A_492 = arith.constant 16 : index
      %get3A_493 = tpu.vector_load %arg14[%get3A_491, %get3A_492] {strides = array<i32>} : memref<128x64xf32, #tpu.memory_space<vmem>>, vector<16xf32>,
      %get3A_494 = arith.index_cast %scan3A_437 : i32 to index
      %get3A_495 = arith.constant 16 : index
      %get3A_496 = tpu.vector_load %arg15[%get3A_494, %get3A_495] {strides = array<i32>} : memref<128x64xf32, #tpu.memory_space<vmem>>, vector<16xf32>,
      %mul3A_497 = arith.mulf %get3A_481, %get3A_487 : vector<16xf32>
      %mul3A_498 = arith.mulf %get3A_484, %get3A_490 : vector<16xf32>
      %add3A_499 = arith.addf %mul3A_497, %mul3A_498 : vector<16xf32>
      %mul3A_500 = arith.mulf %get3A_481, %get3A_490 : vector<16xf32>
      %mul3A_501 = arith.mulf %get3A_484, %get3A_487 : vector<16xf32>
      %sub3A_502 = arith.subf %mul3A_500, %mul3A_501 : vector<16xf32>
      %mul3A_503 = arith.mulf %get3A_481, %get3A_481 : vector<16xf32>
      %mul3A_504 = arith.mulf %get3A_484, %get3A_484 : vector<16xf32>
      %add3A_505 = arith.addf %mul3A_503, %mul3A_504 : vector<16xf32>
      %mul3A_506 = arith.mulf %get3A_487, %get3A_487 : vector<16xf32>
      %mul3A_507 = arith.mulf %get3A_490, %get3A_490 : vector<16xf32>
      %add3A_508 = arith.addf %mul3A_506, %mul3A_507 : vector<16xf32>
      %add3A_509 = arith.addf %add3A_505, %add3A_508 : vector<16xf32>
      %mul3A_510 = arith.mulf %get3A_493, %add3A_499 : vector<16xf32>
      %mul3A_511 = arith.mulf %get3A_496, %sub3A_502 : vector<16xf32>
      %add3A_512 = arith.addf %mul3A_510, %mul3A_511 : vector<16xf32>
      %mul3A_513 = arith.constant 2.000000e+00 : f32
      %mul3A_514 = vector.broadcast %mul3A_513 : f32 to vector<16xf32>
      %mul3A_515 = arith.mulf %mul3A_514, %add3A_512 : vector<16xf32>
      %sub3A_516 = arith.subf %add3A_509, %mul3A_515 : vector<16xf32>
      %add3A_517 = arith.addf %add3A_478, %sub3A_516 : vector<16xf32>
      %get3A_518 = arith.index_cast %scan3A_437 : i32 to index
      %get3A_519 = arith.constant 32 : index
      %get3A_520 = tpu.vector_load %arg11[%get3A_518, %get3A_519] {strides = array<i32>} : memref<128x128xf32, #tpu.memory_space<vmem>>, vector<16xf32>,
      %get3A_521 = arith.index_cast %scan3A_437 : i32 to index
      %get3A_522 = arith.constant 96 : index
      %get3A_523 = tpu.vector_load %arg11[%get3A_521, %get3A_522] {strides = array<i32>} : memref<128x128xf32, #tpu.memory_space<vmem>>, vector<16xf32>,
      %get3A_524 = arith.index_cast %scan3A_437 : i32 to index
      %get3A_525 = arith.constant 32 : index
      %get3A_526 = tpu.vector_load %arg12[%get3A_524, %get3A_525] {strides = array<i32>} : memref<128x128xf32, #tpu.memory_space<vmem>>, vector<16xf32>,
      %get3A_527 = arith.index_cast %scan3A_437 : i32 to index
      %get3A_528 = arith.constant 96 : index
      %get3A_529 = tpu.vector_load %arg12[%get3A_527, %get3A_528] {strides = array<i32>} : memref<128x128xf32, #tpu.memory_space<vmem>>, vector<16xf32>,
      %get3A_530 = arith.index_cast %scan3A_437 : i32 to index
      %get3A_531 = arith.constant 32 : index
      %get3A_532 = tpu.vector_load %arg14[%get3A_530, %get3A_531] {strides = array<i32>} : memref<128x64xf32, #tpu.memory_space<vmem>>, vector<16xf32>,
      %get3A_533 = arith.index_cast %scan3A_437 : i32 to index
      %get3A_534 = arith.constant 32 : index
      %get3A_535 = tpu.vector_load %arg15[%get3A_533, %get3A_534] {strides = array<i32>} : memref<128x64xf32, #tpu.memory_space<vmem>>, vector<16xf32>,
      %mul3A_536 = arith.mulf %get3A_520, %get3A_526 : vector<16xf32>
      %mul3A_537 = arith.mulf %get3A_523, %get3A_529 : vector<16xf32>
      %add3A_538 = arith.addf %mul3A_536, %mul3A_537 : vector<16xf32>
      %mul3A_539 = arith.mulf %get3A_520, %get3A_529 : vector<16xf32>
      %mul3A_540 = arith.mulf %get3A_523, %get3A_526 : vector<16xf32>
      %sub3A_541 = arith.subf %mul3A_539, %mul3A_540 : vector<16xf32>
      %mul3A_542 = arith.mulf %get3A_520, %get3A_520 : vector<16xf32>
      %mul3A_543 = arith.mulf %get3A_523, %get3A_523 : vector<16xf32>
      %add3A_544 = arith.addf %mul3A_542, %mul3A_543 : vector<16xf32>
      %mul3A_545 = arith.mulf %get3A_526, %get3A_526 : vector<16xf32>
      %mul3A_546 = arith.mulf %get3A_529, %get3A_529 : vector<16xf32>
      %add3A_547 = arith.addf %mul3A_545, %mul3A_546 : vector<16xf32>
      %add3A_548 = arith.addf %add3A_544, %add3A_547 : vector<16xf32>
      %mul3A_549 = arith.mulf %get3A_532, %add3A_538 : vector<16xf32>
      %mul3A_550 = arith.mulf %get3A_535, %sub3A_541 : vector<16xf32>
      %add3A_551 = arith.addf %mul3A_549, %mul3A_550 : vector<16xf32>
      %mul3A_552 = arith.constant 2.000000e+00 : f32
      %mul3A_553 = vector.broadcast %mul3A_552 : f32 to vector<16xf32>
      %mul3A_554 = arith.mulf %mul3A_553, %add3A_551 : vector<16xf32>
      %sub3A_555 = arith.subf %add3A_548, %mul3A_554 : vector<16xf32>
      %add3A_556 = arith.addf %add3A_517, %sub3A_555 : vector<16xf32>
      %get3A_557 = arith.index_cast %scan3A_437 : i32 to index
      %get3A_558 = arith.constant 48 : index
      %get3A_559 = tpu.vector_load %arg11[%get3A_557, %get3A_558] {strides = array<i32>} : memref<128x128xf32, #tpu.memory_space<vmem>>, vector<16xf32>,
      %get3A_560 = arith.index_cast %scan3A_437 : i32 to index
      %get3A_561 = arith.constant 112 : index
      %get3A_562 = tpu.vector_load %arg11[%get3A_560, %get3A_561] {strides = array<i32>} : memref<128x128xf32, #tpu.memory_space<vmem>>, vector<16xf32>,
      %get3A_563 = arith.index_cast %scan3A_437 : i32 to index
      %get3A_564 = arith.constant 48 : index
      %get3A_565 = tpu.vector_load %arg12[%get3A_563, %get3A_564] {strides = array<i32>} : memref<128x128xf32, #tpu.memory_space<vmem>>, vector<16xf32>,
      %get3A_566 = arith.index_cast %scan3A_437 : i32 to index
      %get3A_567 = arith.constant 112 : index
      %get3A_568 = tpu.vector_load %arg12[%get3A_566, %get3A_567] {strides = array<i32>} : memref<128x128xf32, #tpu.memory_space<vmem>>, vector<16xf32>,
      %get3A_569 = arith.index_cast %scan3A_437 : i32 to index
      %get3A_570 = arith.constant 48 : index
      %get3A_571 = tpu.vector_load %arg14[%get3A_569, %get3A_570] {strides = array<i32>} : memref<128x64xf32, #tpu.memory_space<vmem>>, vector<16xf32>,
      %get3A_572 = arith.index_cast %scan3A_437 : i32 to index
      %get3A_573 = arith.constant 48 : index
      %get3A_574 = tpu.vector_load %arg15[%get3A_572, %get3A_573] {strides = array<i32>} : memref<128x64xf32, #tpu.memory_space<vmem>>, vector<16xf32>,
      %mul3A_575 = arith.mulf %get3A_559, %get3A_565 : vector<16xf32>
      %mul3A_576 = arith.mulf %get3A_562, %get3A_568 : vector<16xf32>
      %add3A_577 = arith.addf %mul3A_575, %mul3A_576 : vector<16xf32>
      %mul3A_578 = arith.mulf %get3A_559, %get3A_568 : vector<16xf32>
      %mul3A_579 = arith.mulf %get3A_562, %get3A_565 : vector<16xf32>
      %sub3A_580 = arith.subf %mul3A_578, %mul3A_579 : vector<16xf32>
      %mul3A_581 = arith.mulf %get3A_559, %get3A_559 : vector<16xf32>
      %mul3A_582 = arith.mulf %get3A_562, %get3A_562 : vector<16xf32>
      %add3A_583 = arith.addf %mul3A_581, %mul3A_582 : vector<16xf32>
      %mul3A_584 = arith.mulf %get3A_565, %get3A_565 : vector<16xf32>
      %mul3A_585 = arith.mulf %get3A_568, %get3A_568 : vector<16xf32>
      %add3A_586 = arith.addf %mul3A_584, %mul3A_585 : vector<16xf32>
      %add3A_587 = arith.addf %add3A_583, %add3A_586 : vector<16xf32>
      %mul3A_588 = arith.mulf %get3A_571, %add3A_577 : vector<16xf32>
      %mul3A_589 = arith.mulf %get3A_574, %sub3A_580 : vector<16xf32>
      %add3A_590 = arith.addf %mul3A_588, %mul3A_589 : vector<16xf32>
      %mul3A_591 = arith.constant 2.000000e+00 : f32
      %mul3A_592 = vector.broadcast %mul3A_591 : f32 to vector<16xf32>
      %mul3A_593 = arith.mulf %mul3A_592, %add3A_590 : vector<16xf32>
      %sub3A_594 = arith.subf %add3A_587, %mul3A_593 : vector<16xf32>
      %add3A_595 = arith.addf %add3A_556, %sub3A_594 : vector<16xf32>
      %broadcast_in_dim3A_596 = arith.constant true
      %broadcast_in_dim3A_597 = vector.broadcast %broadcast_in_dim3A_596 : i1 to vector<16xi1>
      %masked_cumsum3A = tpu.scan <sum>, %add3A_595 masked %broadcast_in_dim3A_597 : vector<16xf32>, vector<16xi1> -> vector<16xf32>
      %broadcast_in_dim3A_598 = arith.constant 0 : i32
      %broadcast_in_dim3A_599 = vector.broadcast %broadcast_in_dim3A_598 : i32 to vector<16xi32>
      %add3A_600 = vector.broadcast %scan3A_437 : i32 to vector<16xi32>
      %add3A_601 = arith.addi %broadcast_in_dim3A_599, %add3A_600 : vector<16xi32>
      tpu.vector_store_idx %arg16[%add3A_601], %masked_cumsum3A masked %eq3A_25 : memref<128xf32, #tpu.memory_space<vmem>>[vector<16xi32>], vector<16xf32>, vector<16xi1>
    }
    %scan3A_31 = arith.constant 128 : i32
    %get3A = arith.constant 0 : index
    %get3A_32 = tpu.vector_load %arg16[%get3A] {strides = array<i32>} : memref<128xf32, #tpu.memory_space<vmem>>, vector<16xf32>,
    %max3A = arith.constant 0.000000e+00 : f32
    %max3A_33 = vector.broadcast %max3A : f32 to vector<16xf32>
    %max3A_34 = arith.maximumf %get3A_32, %max3A_33 : vector<16xf32>
    %bitcast3A = vector.bitcast %max3A_34 : vector<16xf32> to vector<16xi32>
    %shift_right_arithmetic3A = arith.constant 1 : i32
    %shift_right_arithmetic3A_35 = vector.broadcast %shift_right_arithmetic3A : i32 to vector<16xi32>
    %shift_right_arithmetic3A_36 = arith.shrsi %bitcast3A, %shift_right_arithmetic3A_35 : vector<16xi32>
    %sub3A = arith.constant 1597463007 : i32
    %sub3A_37 = vector.broadcast %sub3A : i32 to vector<16xi32>
    %sub3A_38 = arith.subi %sub3A_37, %shift_right_arithmetic3A_36 : vector<16xi32>
    %bitcast3A_39 = vector.bitcast %sub3A_38 : vector<16xi32> to vector<16xf32>
    %mul3A_40 = arith.constant 5.000000e-01 : f32
    %mul3A_41 = vector.broadcast %mul3A_40 : f32 to vector<16xf32>
    %mul3A_42 = arith.mulf %mul3A_41, %max3A_34 : vector<16xf32>
    %mul3A_43 = arith.mulf %mul3A_42, %bitcast3A_39 : vector<16xf32>
    %mul3A_44 = arith.mulf %mul3A_43, %bitcast3A_39 : vector<16xf32>
    %sub3A_45 = arith.constant 1.500000e+00 : f32
    %sub3A_46 = vector.broadcast %sub3A_45 : f32 to vector<16xf32>
    %sub3A_47 = arith.subf %sub3A_46, %mul3A_44 : vector<16xf32>
    %mul3A_48 = arith.mulf %bitcast3A_39, %sub3A_47 : vector<16xf32>
    %mul3A_49 = arith.constant 5.000000e-01 : f32
    %mul3A_50 = vector.broadcast %mul3A_49 : f32 to vector<16xf32>
    %mul3A_51 = arith.mulf %mul3A_50, %max3A_34 : vector<16xf32>
    %mul3A_52 = arith.mulf %mul3A_51, %mul3A_48 : vector<16xf32>
    %mul3A_53 = arith.mulf %mul3A_52, %mul3A_48 : vector<16xf32>
    %sub3A_54 = arith.constant 1.500000e+00 : f32
    %sub3A_55 = vector.broadcast %sub3A_54 : f32 to vector<16xf32>
    %sub3A_56 = arith.subf %sub3A_55, %mul3A_53 : vector<16xf32>
    %mul3A_57 = arith.mulf %mul3A_48, %sub3A_56 : vector<16xf32>
    %mul3A_58 = arith.constant 5.000000e-01 : f32
    %mul3A_59 = vector.broadcast %mul3A_58 : f32 to vector<16xf32>
    %mul3A_60 = arith.mulf %mul3A_59, %max3A_34 : vector<16xf32>
    %mul3A_61 = arith.mulf %mul3A_60, %mul3A_57 : vector<16xf32>
    %mul3A_62 = arith.mulf %mul3A_61, %mul3A_57 : vector<16xf32>
    %sub3A_63 = arith.constant 1.500000e+00 : f32
    %sub3A_64 = vector.broadcast %sub3A_63 : f32 to vector<16xf32>
    %sub3A_65 = arith.subf %sub3A_64, %mul3A_62 : vector<16xf32>
    %mul3A_66 = arith.mulf %mul3A_57, %sub3A_65 : vector<16xf32>
    %gt3A = arith.constant 0.000000e+00 : f32
    %gt3A_67 = vector.broadcast %gt3A : f32 to vector<16xf32>
    %gt3A_68 = arith.cmpf ogt, %max3A_34, %gt3A_67 : vector<16xf32>
    %mul3A_69 = arith.mulf %max3A_34, %mul3A_66 : vector<16xf32>
    %jit3A = arith.constant 0.000000e+00 : f32
    %broadcast_in_dim3A = vector.broadcast %jit3A : f32 to vector<16xf32>
    %select_n3A = arith.select %gt3A_68, %mul3A_69, %broadcast_in_dim3A : vector<16xi1>, vector<16xf32>
    %neg3A = arith.constant 0.000000e+00 : f32
    %neg3A_70 = vector.broadcast %neg3A : f32 to vector<16xf32>
    %neg3A_71 = arith.subf %neg3A_70, %select_n3A : vector<16xf32>
    %swap3A = arith.constant 0 : index
    %swap3A_72 = tpu.vector_load %arg17[%swap3A] {strides = array<i32>} : memref<128xf32, #tpu.memory_space<vmem>>, vector<16xf32>,
    tpu.vector_store %arg17[%swap3A], %neg3A_71 {strides = array<i32>} : memref<128xf32, #tpu.memory_space<vmem>>, vector<16xf32>,
    %get3A_73 = arith.constant 16 : index
    %get3A_74 = tpu.vector_load %arg16[%get3A_73] {strides = array<i32>} : memref<128xf32, #tpu.memory_space<vmem>>, vector<16xf32>,
    %max3A_75 = arith.constant 0.000000e+00 : f32
    %max3A_76 = vector.broadcast %max3A_75 : f32 to vector<16xf32>
    %max3A_77 = arith.maximumf %get3A_74, %max3A_76 : vector<16xf32>
    %bitcast3A_78 = vector.bitcast %max3A_77 : vector<16xf32> to vector<16xi32>
    %shift_right_arithmetic3A_79 = arith.constant 1 : i32
    %shift_right_arithmetic3A_80 = vector.broadcast %shift_right_arithmetic3A_79 : i32 to vector<16xi32>
    %shift_right_arithmetic3A_81 = arith.shrsi %bitcast3A_78, %shift_right_arithmetic3A_80 : vector<16xi32>
    %sub3A_82 = arith.constant 1597463007 : i32
    %sub3A_83 = vector.broadcast %sub3A_82 : i32 to vector<16xi32>
    %sub3A_84 = arith.subi %sub3A_83, %shift_right_arithmetic3A_81 : vector<16xi32>
    %bitcast3A_85 = vector.bitcast %sub3A_84 : vector<16xi32> to vector<16xf32>
    %mul3A_86 = arith.constant 5.000000e-01 : f32
    %mul3A_87 = vector.broadcast %mul3A_86 : f32 to vector<16xf32>
    %mul3A_88 = arith.mulf %mul3A_87, %max3A_77 : vector<16xf32>
    %mul3A_89 = arith.mulf %mul3A_88, %bitcast3A_85 : vector<16xf32>
    %mul3A_90 = arith.mulf %mul3A_89, %bitcast3A_85 : vector<16xf32>
    %sub3A_91 = arith.constant 1.500000e+00 : f32
    %sub3A_92 = vector.broadcast %sub3A_91 : f32 to vector<16xf32>
    %sub3A_93 = arith.subf %sub3A_92, %mul3A_90 : vector<16xf32>
    %mul3A_94 = arith.mulf %bitcast3A_85, %sub3A_93 : vector<16xf32>
    %mul3A_95 = arith.constant 5.000000e-01 : f32
    %mul3A_96 = vector.broadcast %mul3A_95 : f32 to vector<16xf32>
    %mul3A_97 = arith.mulf %mul3A_96, %max3A_77 : vector<16xf32>
    %mul3A_98 = arith.mulf %mul3A_97, %mul3A_94 : vector<16xf32>
    %mul3A_99 = arith.mulf %mul3A_98, %mul3A_94 : vector<16xf32>
    %sub3A_100 = arith.constant 1.500000e+00 : f32
    %sub3A_101 = vector.broadcast %sub3A_100 : f32 to vector<16xf32>
    %sub3A_102 = arith.subf %sub3A_101, %mul3A_99 : vector<16xf32>
    %mul3A_103 = arith.mulf %mul3A_94, %sub3A_102 : vector<16xf32>
    %mul3A_104 = arith.constant 5.000000e-01 : f32
    %mul3A_105 = vector.broadcast %mul3A_104 : f32 to vector<16xf32>
    %mul3A_106 = arith.mulf %mul3A_105, %max3A_77 : vector<16xf32>
    %mul3A_107 = arith.mulf %mul3A_106, %mul3A_103 : vector<16xf32>
    %mul3A_108 = arith.mulf %mul3A_107, %mul3A_103 : vector<16xf32>
    %sub3A_109 = arith.constant 1.500000e+00 : f32
    %sub3A_110 = vector.broadcast %sub3A_109 : f32 to vector<16xf32>
    %sub3A_111 = arith.subf %sub3A_110, %mul3A_108 : vector<16xf32>
    %mul3A_112 = arith.mulf %mul3A_103, %sub3A_111 : vector<16xf32>
    %gt3A_113 = arith.constant 0.000000e+00 : f32
    %gt3A_114 = vector.broadcast %gt3A_113 : f32 to vector<16xf32>
    %gt3A_115 = arith.cmpf ogt, %max3A_77, %gt3A_114 : vector<16xf32>
    %mul3A_116 = arith.mulf %max3A_77, %mul3A_112 : vector<16xf32>
    %jit3A_117 = arith.constant 0.000000e+00 : f32
    %broadcast_in_dim3A_118 = vector.broadcast %jit3A_117 : f32 to vector<16xf32>
    %select_n3A_119 = arith.select %gt3A_115, %mul3A_116, %broadcast_in_dim3A_118 : vector<16xi1>, vector<16xf32>
    %neg3A_120 = arith.constant 0.000000e+00 : f32
    %neg3A_121 = vector.broadcast %neg3A_120 : f32 to vector<16xf32>
    %neg3A_122 = arith.subf %neg3A_121, %select_n3A_119 : vector<16xf32>
    %swap3A_123 = arith.constant 16 : index
    %swap3A_124 = tpu.vector_load %arg17[%swap3A_123] {strides = array<i32>} : memref<128xf32, #tpu.memory_space<vmem>>, vector<16xf32>,
    tpu.vector_store %arg17[%swap3A_123], %neg3A_122 {strides = array<i32>} : memref<128xf32, #tpu.memory_space<vmem>>, vector<16xf32>,
    %get3A_125 = arith.constant 32 : index
    %get3A_126 = tpu.vector_load %arg16[%get3A_125] {strides = array<i32>} : memref<128xf32, #tpu.memory_space<vmem>>, vector<16xf32>,
    %max3A_127 = arith.constant 0.000000e+00 : f32
    %max3A_128 = vector.broadcast %max3A_127 : f32 to vector<16xf32>
    %max3A_129 = arith.maximumf %get3A_126, %max3A_128 : vector<16xf32>
    %bitcast3A_130 = vector.bitcast %max3A_129 : vector<16xf32> to vector<16xi32>
    %shift_right_arithmetic3A_131 = arith.constant 1 : i32
    %shift_right_arithmetic3A_132 = vector.broadcast %shift_right_arithmetic3A_131 : i32 to vector<16xi32>
    %shift_right_arithmetic3A_133 = arith.shrsi %bitcast3A_130, %shift_right_arithmetic3A_132 : vector<16xi32>
    %sub3A_134 = arith.constant 1597463007 : i32
    %sub3A_135 = vector.broadcast %sub3A_134 : i32 to vector<16xi32>
    %sub3A_136 = arith.subi %sub3A_135, %shift_right_arithmetic3A_133 : vector<16xi32>
    %bitcast3A_137 = vector.bitcast %sub3A_136 : vector<16xi32> to vector<16xf32>
    %mul3A_138 = arith.constant 5.000000e-01 : f32
    %mul3A_139 = vector.broadcast %mul3A_138 : f32 to vector<16xf32>
    %mul3A_140 = arith.mulf %mul3A_139, %max3A_129 : vector<16xf32>
    %mul3A_141 = arith.mulf %mul3A_140, %bitcast3A_137 : vector<16xf32>
    %mul3A_142 = arith.mulf %mul3A_141, %bitcast3A_137 : vector<16xf32>
    %sub3A_143 = arith.constant 1.500000e+00 : f32
    %sub3A_144 = vector.broadcast %sub3A_143 : f32 to vector<16xf32>
    %sub3A_145 = arith.subf %sub3A_144, %mul3A_142 : vector<16xf32>
    %mul3A_146 = arith.mulf %bitcast3A_137, %sub3A_145 : vector<16xf32>
    %mul3A_147 = arith.constant 5.000000e-01 : f32
    %mul3A_148 = vector.broadcast %mul3A_147 : f32 to vector<16xf32>
    %mul3A_149 = arith.mulf %mul3A_148, %max3A_129 : vector<16xf32>
    %mul3A_150 = arith.mulf %mul3A_149, %mul3A_146 : vector<16xf32>
    %mul3A_151 = arith.mulf %mul3A_150, %mul3A_146 : vector<16xf32>
    %sub3A_152 = arith.constant 1.500000e+00 : f32
    %sub3A_153 = vector.broadcast %sub3A_152 : f32 to vector<16xf32>
    %sub3A_154 = arith.subf %sub3A_153, %mul3A_151 : vector<16xf32>
    %mul3A_155 = arith.mulf %mul3A_146, %sub3A_154 : vector<16xf32>
    %mul3A_156 = arith.constant 5.000000e-01 : f32
    %mul3A_157 = vector.broadcast %mul3A_156 : f32 to vector<16xf32>
    %mul3A_158 = arith.mulf %mul3A_157, %max3A_129 : vector<16xf32>
    %mul3A_159 = arith.mulf %mul3A_158, %mul3A_155 : vector<16xf32>
    %mul3A_160 = arith.mulf %mul3A_159, %mul3A_155 : vector<16xf32>
    %sub3A_161 = arith.constant 1.500000e+00 : f32
    %sub3A_162 = vector.broadcast %sub3A_161 : f32 to vector<16xf32>
    %sub3A_163 = arith.subf %sub3A_162, %mul3A_160 : vector<16xf32>
    %mul3A_164 = arith.mulf %mul3A_155, %sub3A_163 : vector<16xf32>
    %gt3A_165 = arith.constant 0.000000e+00 : f32
    %gt3A_166 = vector.broadcast %gt3A_165 : f32 to vector<16xf32>
    %gt3A_167 = arith.cmpf ogt, %max3A_129, %gt3A_166 : vector<16xf32>
    %mul3A_168 = arith.mulf %max3A_129, %mul3A_164 : vector<16xf32>
    %jit3A_169 = arith.constant 0.000000e+00 : f32
    %broadcast_in_dim3A_170 = vector.broadcast %jit3A_169 : f32 to vector<16xf32>
    %select_n3A_171 = arith.select %gt3A_167, %mul3A_168, %broadcast_in_dim3A_170 : vector<16xi1>, vector<16xf32>
    %neg3A_172 = arith.constant 0.000000e+00 : f32
    %neg3A_173 = vector.broadcast %neg3A_172 : f32 to vector<16xf32>
    %neg3A_174 = arith.subf %neg3A_173, %select_n3A_171 : vector<16xf32>
    %swap3A_175 = arith.constant 32 : index
    %swap3A_176 = tpu.vector_load %arg17[%swap3A_175] {strides = array<i32>} : memref<128xf32, #tpu.memory_space<vmem>>, vector<16xf32>,
    tpu.vector_store %arg17[%swap3A_175], %neg3A_174 {strides = array<i32>} : memref<128xf32, #tpu.memory_space<vmem>>, vector<16xf32>,
    %get3A_177 = arith.constant 48 : index
    %get3A_178 = tpu.vector_load %arg16[%get3A_177] {strides = array<i32>} : memref<128xf32, #tpu.memory_space<vmem>>, vector<16xf32>,
    %max3A_179 = arith.constant 0.000000e+00 : f32
    %max3A_180 = vector.broadcast %max3A_179 : f32 to vector<16xf32>
    %max3A_181 = arith.maximumf %get3A_178, %max3A_180 : vector<16xf32>
    %bitcast3A_182 = vector.bitcast %max3A_181 : vector<16xf32> to vector<16xi32>
    %shift_right_arithmetic3A_183 = arith.constant 1 : i32
    %shift_right_arithmetic3A_184 = vector.broadcast %shift_right_arithmetic3A_183 : i32 to vector<16xi32>
    %shift_right_arithmetic3A_185 = arith.shrsi %bitcast3A_182, %shift_right_arithmetic3A_184 : vector<16xi32>
    %sub3A_186 = arith.constant 1597463007 : i32
    %sub3A_187 = vector.broadcast %sub3A_186 : i32 to vector<16xi32>
    %sub3A_188 = arith.subi %sub3A_187, %shift_right_arithmetic3A_185 : vector<16xi32>
    %bitcast3A_189 = vector.bitcast %sub3A_188 : vector<16xi32> to vector<16xf32>
    %mul3A_190 = arith.constant 5.000000e-01 : f32
    %mul3A_191 = vector.broadcast %mul3A_190 : f32 to vector<16xf32>
    %mul3A_192 = arith.mulf %mul3A_191, %max3A_181 : vector<16xf32>
    %mul3A_193 = arith.mulf %mul3A_192, %bitcast3A_189 : vector<16xf32>
    %mul3A_194 = arith.mulf %mul3A_193, %bitcast3A_189 : vector<16xf32>
    %sub3A_195 = arith.constant 1.500000e+00 : f32
    %sub3A_196 = vector.broadcast %sub3A_195 : f32 to vector<16xf32>
    %sub3A_197 = arith.subf %sub3A_196, %mul3A_194 : vector<16xf32>
    %mul3A_198 = arith.mulf %bitcast3A_189, %sub3A_197 : vector<16xf32>
    %mul3A_199 = arith.constant 5.000000e-01 : f32
    %mul3A_200 = vector.broadcast %mul3A_199 : f32 to vector<16xf32>
    %mul3A_201 = arith.mulf %mul3A_200, %max3A_181 : vector<16xf32>
    %mul3A_202 = arith.mulf %mul3A_201, %mul3A_198 : vector<16xf32>
    %mul3A_203 = arith.mulf %mul3A_202, %mul3A_198 : vector<16xf32>
    %sub3A_204 = arith.constant 1.500000e+00 : f32
    %sub3A_205 = vector.broadcast %sub3A_204 : f32 to vector<16xf32>
    %sub3A_206 = arith.subf %sub3A_205, %mul3A_203 : vector<16xf32>
    %mul3A_207 = arith.mulf %mul3A_198, %sub3A_206 : vector<16xf32>
    %mul3A_208 = arith.constant 5.000000e-01 : f32
    %mul3A_209 = vector.broadcast %mul3A_208 : f32 to vector<16xf32>
    %mul3A_210 = arith.mulf %mul3A_209, %max3A_181 : vector<16xf32>
    %mul3A_211 = arith.mulf %mul3A_210, %mul3A_207 : vector<16xf32>
    %mul3A_212 = arith.mulf %mul3A_211, %mul3A_207 : vector<16xf32>
    %sub3A_213 = arith.constant 1.500000e+00 : f32
    %sub3A_214 = vector.broadcast %sub3A_213 : f32 to vector<16xf32>
    %sub3A_215 = arith.subf %sub3A_214, %mul3A_212 : vector<16xf32>
    %mul3A_216 = arith.mulf %mul3A_207, %sub3A_215 : vector<16xf32>
    %gt3A_217 = arith.constant 0.000000e+00 : f32
    %gt3A_218 = vector.broadcast %gt3A_217 : f32 to vector<16xf32>
    %gt3A_219 = arith.cmpf ogt, %max3A_181, %gt3A_218 : vector<16xf32>
    %mul3A_220 = arith.mulf %max3A_181, %mul3A_216 : vector<16xf32>
    %jit3A_221 = arith.constant 0.000000e+00 : f32
    %broadcast_in_dim3A_222 = vector.broadcast %jit3A_221 : f32 to vector<16xf32>
    %select_n3A_223 = arith.select %gt3A_219, %mul3A_220, %broadcast_in_dim3A_222 : vector<16xi1>, vector<16xf32>
    %neg3A_224 = arith.constant 0.000000e+00 : f32
    %neg3A_225 = vector.broadcast %neg3A_224 : f32 to vector<16xf32>
    %neg3A_226 = arith.subf %neg3A_225, %select_n3A_223 : vector<16xf32>
    %swap3A_227 = arith.constant 48 : index
    %swap3A_228 = tpu.vector_load %arg17[%swap3A_227] {strides = array<i32>} : memref<128xf32, #tpu.memory_space<vmem>>, vector<16xf32>,
    tpu.vector_store %arg17[%swap3A_227], %neg3A_226 {strides = array<i32>} : memref<128xf32, #tpu.memory_space<vmem>>, vector<16xf32>,
    %get3A_229 = arith.constant 64 : index
    %get3A_230 = tpu.vector_load %arg16[%get3A_229] {strides = array<i32>} : memref<128xf32, #tpu.memory_space<vmem>>, vector<16xf32>,
    %max3A_231 = arith.constant 0.000000e+00 : f32
    %max3A_232 = vector.broadcast %max3A_231 : f32 to vector<16xf32>
    %max3A_233 = arith.maximumf %get3A_230, %max3A_232 : vector<16xf32>
    %bitcast3A_234 = vector.bitcast %max3A_233 : vector<16xf32> to vector<16xi32>
    %shift_right_arithmetic3A_235 = arith.constant 1 : i32
    %shift_right_arithmetic3A_236 = vector.broadcast %shift_right_arithmetic3A_235 : i32 to vector<16xi32>
    %shift_right_arithmetic3A_237 = arith.shrsi %bitcast3A_234, %shift_right_arithmetic3A_236 : vector<16xi32>
    %sub3A_238 = arith.constant 1597463007 : i32
    %sub3A_239 = vector.broadcast %sub3A_238 : i32 to vector<16xi32>
    %sub3A_240 = arith.subi %sub3A_239, %shift_right_arithmetic3A_237 : vector<16xi32>
    %bitcast3A_241 = vector.bitcast %sub3A_240 : vector<16xi32> to vector<16xf32>
    %mul3A_242 = arith.constant 5.000000e-01 : f32
    %mul3A_243 = vector.broadcast %mul3A_242 : f32 to vector<16xf32>
    %mul3A_244 = arith.mulf %mul3A_243, %max3A_233 : vector<16xf32>
    %mul3A_245 = arith.mulf %mul3A_244, %bitcast3A_241 : vector<16xf32>
    %mul3A_246 = arith.mulf %mul3A_245, %bitcast3A_241 : vector<16xf32>
    %sub3A_247 = arith.constant 1.500000e+00 : f32
    %sub3A_248 = vector.broadcast %sub3A_247 : f32 to vector<16xf32>
    %sub3A_249 = arith.subf %sub3A_248, %mul3A_246 : vector<16xf32>
    %mul3A_250 = arith.mulf %bitcast3A_241, %sub3A_249 : vector<16xf32>
    %mul3A_251 = arith.constant 5.000000e-01 : f32
    %mul3A_252 = vector.broadcast %mul3A_251 : f32 to vector<16xf32>
    %mul3A_253 = arith.mulf %mul3A_252, %max3A_233 : vector<16xf32>
    %mul3A_254 = arith.mulf %mul3A_253, %mul3A_250 : vector<16xf32>
    %mul3A_255 = arith.mulf %mul3A_254, %mul3A_250 : vector<16xf32>
    %sub3A_256 = arith.constant 1.500000e+00 : f32
    %sub3A_257 = vector.broadcast %sub3A_256 : f32 to vector<16xf32>
    %sub3A_258 = arith.subf %sub3A_257, %mul3A_255 : vector<16xf32>
    %mul3A_259 = arith.mulf %mul3A_250, %sub3A_258 : vector<16xf32>
    %mul3A_260 = arith.constant 5.000000e-01 : f32
    %mul3A_261 = vector.broadcast %mul3A_260 : f32 to vector<16xf32>
    %mul3A_262 = arith.mulf %mul3A_261, %max3A_233 : vector<16xf32>
    %mul3A_263 = arith.mulf %mul3A_262, %mul3A_259 : vector<16xf32>
    %mul3A_264 = arith.mulf %mul3A_263, %mul3A_259 : vector<16xf32>
    %sub3A_265 = arith.constant 1.500000e+00 : f32
    %sub3A_266 = vector.broadcast %sub3A_265 : f32 to vector<16xf32>
    %sub3A_267 = arith.subf %sub3A_266, %mul3A_264 : vector<16xf32>
    %mul3A_268 = arith.mulf %mul3A_259, %sub3A_267 : vector<16xf32>
    %gt3A_269 = arith.constant 0.000000e+00 : f32
    %gt3A_270 = vector.broadcast %gt3A_269 : f32 to vector<16xf32>
    %gt3A_271 = arith.cmpf ogt, %max3A_233, %gt3A_270 : vector<16xf32>
    %mul3A_272 = arith.mulf %max3A_233, %mul3A_268 : vector<16xf32>
    %jit3A_273 = arith.constant 0.000000e+00 : f32
    %broadcast_in_dim3A_274 = vector.broadcast %jit3A_273 : f32 to vector<16xf32>
    %select_n3A_275 = arith.select %gt3A_271, %mul3A_272, %broadcast_in_dim3A_274 : vector<16xi1>, vector<16xf32>
    %neg3A_276 = arith.constant 0.000000e+00 : f32
    %neg3A_277 = vector.broadcast %neg3A_276 : f32 to vector<16xf32>
    %neg3A_278 = arith.subf %neg3A_277, %select_n3A_275 : vector<16xf32>
    %swap3A_279 = arith.constant 64 : index
    %swap3A_280 = tpu.vector_load %arg17[%swap3A_279] {strides = array<i32>} : memref<128xf32, #tpu.memory_space<vmem>>, vector<16xf32>,
    tpu.vector_store %arg17[%swap3A_279], %neg3A_278 {strides = array<i32>} : memref<128xf32, #tpu.memory_space<vmem>>, vector<16xf32>,
    %get3A_281 = arith.constant 80 : index
    %get3A_282 = tpu.vector_load %arg16[%get3A_281] {strides = array<i32>} : memref<128xf32, #tpu.memory_space<vmem>>, vector<16xf32>,
    %max3A_283 = arith.constant 0.000000e+00 : f32
    %max3A_284 = vector.broadcast %max3A_283 : f32 to vector<16xf32>
    %max3A_285 = arith.maximumf %get3A_282, %max3A_284 : vector<16xf32>
    %bitcast3A_286 = vector.bitcast %max3A_285 : vector<16xf32> to vector<16xi32>
    %shift_right_arithmetic3A_287 = arith.constant 1 : i32
    %shift_right_arithmetic3A_288 = vector.broadcast %shift_right_arithmetic3A_287 : i32 to vector<16xi32>
    %shift_right_arithmetic3A_289 = arith.shrsi %bitcast3A_286, %shift_right_arithmetic3A_288 : vector<16xi32>
    %sub3A_290 = arith.constant 1597463007 : i32
    %sub3A_291 = vector.broadcast %sub3A_290 : i32 to vector<16xi32>
    %sub3A_292 = arith.subi %sub3A_291, %shift_right_arithmetic3A_289 : vector<16xi32>
    %bitcast3A_293 = vector.bitcast %sub3A_292 : vector<16xi32> to vector<16xf32>
    %mul3A_294 = arith.constant 5.000000e-01 : f32
    %mul3A_295 = vector.broadcast %mul3A_294 : f32 to vector<16xf32>
    %mul3A_296 = arith.mulf %mul3A_295, %max3A_285 : vector<16xf32>
    %mul3A_297 = arith.mulf %mul3A_296, %bitcast3A_293 : vector<16xf32>
    %mul3A_298 = arith.mulf %mul3A_297, %bitcast3A_293 : vector<16xf32>
    %sub3A_299 = arith.constant 1.500000e+00 : f32
    %sub3A_300 = vector.broadcast %sub3A_299 : f32 to vector<16xf32>
    %sub3A_301 = arith.subf %sub3A_300, %mul3A_298 : vector<16xf32>
    %mul3A_302 = arith.mulf %bitcast3A_293, %sub3A_301 : vector<16xf32>
    %mul3A_303 = arith.constant 5.000000e-01 : f32
    %mul3A_304 = vector.broadcast %mul3A_303 : f32 to vector<16xf32>
    %mul3A_305 = arith.mulf %mul3A_304, %max3A_285 : vector<16xf32>
    %mul3A_306 = arith.mulf %mul3A_305, %mul3A_302 : vector<16xf32>
    %mul3A_307 = arith.mulf %mul3A_306, %mul3A_302 : vector<16xf32>
    %sub3A_308 = arith.constant 1.500000e+00 : f32
    %sub3A_309 = vector.broadcast %sub3A_308 : f32 to vector<16xf32>
    %sub3A_310 = arith.subf %sub3A_309, %mul3A_307 : vector<16xf32>
    %mul3A_311 = arith.mulf %mul3A_302, %sub3A_310 : vector<16xf32>
    %mul3A_312 = arith.constant 5.000000e-01 : f32
    %mul3A_313 = vector.broadcast %mul3A_312 : f32 to vector<16xf32>
    %mul3A_314 = arith.mulf %mul3A_313, %max3A_285 : vector<16xf32>
    %mul3A_315 = arith.mulf %mul3A_314, %mul3A_311 : vector<16xf32>
    %mul3A_316 = arith.mulf %mul3A_315, %mul3A_311 : vector<16xf32>
    %sub3A_317 = arith.constant 1.500000e+00 : f32
    %sub3A_318 = vector.broadcast %sub3A_317 : f32 to vector<16xf32>
    %sub3A_319 = arith.subf %sub3A_318, %mul3A_316 : vector<16xf32>
    %mul3A_320 = arith.mulf %mul3A_311, %sub3A_319 : vector<16xf32>
    %gt3A_321 = arith.constant 0.000000e+00 : f32
    %gt3A_322 = vector.broadcast %gt3A_321 : f32 to vector<16xf32>
    %gt3A_323 = arith.cmpf ogt, %max3A_285, %gt3A_322 : vector<16xf32>
    %mul3A_324 = arith.mulf %max3A_285, %mul3A_320 : vector<16xf32>
    %jit3A_325 = arith.constant 0.000000e+00 : f32
    %broadcast_in_dim3A_326 = vector.broadcast %jit3A_325 : f32 to vector<16xf32>
    %select_n3A_327 = arith.select %gt3A_323, %mul3A_324, %broadcast_in_dim3A_326 : vector<16xi1>, vector<16xf32>
    %neg3A_328 = arith.constant 0.000000e+00 : f32
    %neg3A_329 = vector.broadcast %neg3A_328 : f32 to vector<16xf32>
    %neg3A_330 = arith.subf %neg3A_329, %select_n3A_327 : vector<16xf32>
    %swap3A_331 = arith.constant 80 : index
    %swap3A_332 = tpu.vector_load %arg17[%swap3A_331] {strides = array<i32>} : memref<128xf32, #tpu.memory_space<vmem>>, vector<16xf32>,
    tpu.vector_store %arg17[%swap3A_331], %neg3A_330 {strides = array<i32>} : memref<128xf32, #tpu.memory_space<vmem>>, vector<16xf32>,
    %get3A_333 = arith.constant 96 : index
    %get3A_334 = tpu.vector_load %arg16[%get3A_333] {strides = array<i32>} : memref<128xf32, #tpu.memory_space<vmem>>, vector<16xf32>,
    %max3A_335 = arith.constant 0.000000e+00 : f32
    %max3A_336 = vector.broadcast %max3A_335 : f32 to vector<16xf32>
    %max3A_337 = arith.maximumf %get3A_334, %max3A_336 : vector<16xf32>
    %bitcast3A_338 = vector.bitcast %max3A_337 : vector<16xf32> to vector<16xi32>
    %shift_right_arithmetic3A_339 = arith.constant 1 : i32
    %shift_right_arithmetic3A_340 = vector.broadcast %shift_right_arithmetic3A_339 : i32 to vector<16xi32>
    %shift_right_arithmetic3A_341 = arith.shrsi %bitcast3A_338, %shift_right_arithmetic3A_340 : vector<16xi32>
    %sub3A_342 = arith.constant 1597463007 : i32
    %sub3A_343 = vector.broadcast %sub3A_342 : i32 to vector<16xi32>
    %sub3A_344 = arith.subi %sub3A_343, %shift_right_arithmetic3A_341 : vector<16xi32>
    %bitcast3A_345 = vector.bitcast %sub3A_344 : vector<16xi32> to vector<16xf32>
    %mul3A_346 = arith.constant 5.000000e-01 : f32
    %mul3A_347 = vector.broadcast %mul3A_346 : f32 to vector<16xf32>
    %mul3A_348 = arith.mulf %mul3A_347, %max3A_337 : vector<16xf32>
    %mul3A_349 = arith.mulf %mul3A_348, %bitcast3A_345 : vector<16xf32>
    %mul3A_350 = arith.mulf %mul3A_349, %bitcast3A_345 : vector<16xf32>
    %sub3A_351 = arith.constant 1.500000e+00 : f32
    %sub3A_352 = vector.broadcast %sub3A_351 : f32 to vector<16xf32>
    %sub3A_353 = arith.subf %sub3A_352, %mul3A_350 : vector<16xf32>
    %mul3A_354 = arith.mulf %bitcast3A_345, %sub3A_353 : vector<16xf32>
    %mul3A_355 = arith.constant 5.000000e-01 : f32
    %mul3A_356 = vector.broadcast %mul3A_355 : f32 to vector<16xf32>
    %mul3A_357 = arith.mulf %mul3A_356, %max3A_337 : vector<16xf32>
    %mul3A_358 = arith.mulf %mul3A_357, %mul3A_354 : vector<16xf32>
    %mul3A_359 = arith.mulf %mul3A_358, %mul3A_354 : vector<16xf32>
    %sub3A_360 = arith.constant 1.500000e+00 : f32
    %sub3A_361 = vector.broadcast %sub3A_360 : f32 to vector<16xf32>
    %sub3A_362 = arith.subf %sub3A_361, %mul3A_359 : vector<16xf32>
    %mul3A_363 = arith.mulf %mul3A_354, %sub3A_362 : vector<16xf32>
    %mul3A_364 = arith.constant 5.000000e-01 : f32
    %mul3A_365 = vector.broadcast %mul3A_364 : f32 to vector<16xf32>
    %mul3A_366 = arith.mulf %mul3A_365, %max3A_337 : vector<16xf32>
    %mul3A_367 = arith.mulf %mul3A_366, %mul3A_363 : vector<16xf32>
    %mul3A_368 = arith.mulf %mul3A_367, %mul3A_363 : vector<16xf32>
    %sub3A_369 = arith.constant 1.500000e+00 : f32
    %sub3A_370 = vector.broadcast %sub3A_369 : f32 to vector<16xf32>
    %sub3A_371 = arith.subf %sub3A_370, %mul3A_368 : vector<16xf32>
    %mul3A_372 = arith.mulf %mul3A_363, %sub3A_371 : vector<16xf32>
    %gt3A_373 = arith.constant 0.000000e+00 : f32
    %gt3A_374 = vector.broadcast %gt3A_373 : f32 to vector<16xf32>
    %gt3A_375 = arith.cmpf ogt, %max3A_337, %gt3A_374 : vector<16xf32>
    %mul3A_376 = arith.mulf %max3A_337, %mul3A_372 : vector<16xf32>
    %jit3A_377 = arith.constant 0.000000e+00 : f32
    %broadcast_in_dim3A_378 = vector.broadcast %jit3A_377 : f32 to vector<16xf32>
    %select_n3A_379 = arith.select %gt3A_375, %mul3A_376, %broadcast_in_dim3A_378 : vector<16xi1>, vector<16xf32>
    %neg3A_380 = arith.constant 0.000000e+00 : f32
    %neg3A_381 = vector.broadcast %neg3A_380 : f32 to vector<16xf32>
    %neg3A_382 = arith.subf %neg3A_381, %select_n3A_379 : vector<16xf32>
    %swap3A_383 = arith.constant 96 : index
    %swap3A_384 = tpu.vector_load %arg17[%swap3A_383] {strides = array<i32>} : memref<128xf32, #tpu.memory_space<vmem>>, vector<16xf32>,
    tpu.vector_store %arg17[%swap3A_383], %neg3A_382 {strides = array<i32>} : memref<128xf32, #tpu.memory_space<vmem>>, vector<16xf32>,
    %get3A_385 = arith.constant 112 : index
    %get3A_386 = tpu.vector_load %arg16[%get3A_385] {strides = array<i32>} : memref<128xf32, #tpu.memory_space<vmem>>, vector<16xf32>,
    %max3A_387 = arith.constant 0.000000e+00 : f32
    %max3A_388 = vector.broadcast %max3A_387 : f32 to vector<16xf32>
    %max3A_389 = arith.maximumf %get3A_386, %max3A_388 : vector<16xf32>
    %bitcast3A_390 = vector.bitcast %max3A_389 : vector<16xf32> to vector<16xi32>
    %shift_right_arithmetic3A_391 = arith.constant 1 : i32
    %shift_right_arithmetic3A_392 = vector.broadcast %shift_right_arithmetic3A_391 : i32 to vector<16xi32>
    %shift_right_arithmetic3A_393 = arith.shrsi %bitcast3A_390, %shift_right_arithmetic3A_392 : vector<16xi32>
    %sub3A_394 = arith.constant 1597463007 : i32
    %sub3A_395 = vector.broadcast %sub3A_394 : i32 to vector<16xi32>
    %sub3A_396 = arith.subi %sub3A_395, %shift_right_arithmetic3A_393 : vector<16xi32>
    %bitcast3A_397 = vector.bitcast %sub3A_396 : vector<16xi32> to vector<16xf32>
    %mul3A_398 = arith.constant 5.000000e-01 : f32
    %mul3A_399 = vector.broadcast %mul3A_398 : f32 to vector<16xf32>
    %mul3A_400 = arith.mulf %mul3A_399, %max3A_389 : vector<16xf32>
    %mul3A_401 = arith.mulf %mul3A_400, %bitcast3A_397 : vector<16xf32>
    %mul3A_402 = arith.mulf %mul3A_401, %bitcast3A_397 : vector<16xf32>
    %sub3A_403 = arith.constant 1.500000e+00 : f32
    %sub3A_404 = vector.broadcast %sub3A_403 : f32 to vector<16xf32>
    %sub3A_405 = arith.subf %sub3A_404, %mul3A_402 : vector<16xf32>
    %mul3A_406 = arith.mulf %bitcast3A_397, %sub3A_405 : vector<16xf32>
    %mul3A_407 = arith.constant 5.000000e-01 : f32
    %mul3A_408 = vector.broadcast %mul3A_407 : f32 to vector<16xf32>
    %mul3A_409 = arith.mulf %mul3A_408, %max3A_389 : vector<16xf32>
    %mul3A_410 = arith.mulf %mul3A_409, %mul3A_406 : vector<16xf32>
    %mul3A_411 = arith.mulf %mul3A_410, %mul3A_406 : vector<16xf32>
    %sub3A_412 = arith.constant 1.500000e+00 : f32
    %sub3A_413 = vector.broadcast %sub3A_412 : f32 to vector<16xf32>
    %sub3A_414 = arith.subf %sub3A_413, %mul3A_411 : vector<16xf32>
    %mul3A_415 = arith.mulf %mul3A_406, %sub3A_414 : vector<16xf32>
    %mul3A_416 = arith.constant 5.000000e-01 : f32
    %mul3A_417 = vector.broadcast %mul3A_416 : f32 to vector<16xf32>
    %mul3A_418 = arith.mulf %mul3A_417, %max3A_389 : vector<16xf32>
    %mul3A_419 = arith.mulf %mul3A_418, %mul3A_415 : vector<16xf32>
    %mul3A_420 = arith.mulf %mul3A_419, %mul3A_415 : vector<16xf32>
    %sub3A_421 = arith.constant 1.500000e+00 : f32
    %sub3A_422 = vector.broadcast %sub3A_421 : f32 to vector<16xf32>
    %sub3A_423 = arith.subf %sub3A_422, %mul3A_420 : vector<16xf32>
    %mul3A_424 = arith.mulf %mul3A_415, %sub3A_423 : vector<16xf32>
    %gt3A_425 = arith.constant 0.000000e+00 : f32
    %gt3A_426 = vector.broadcast %gt3A_425 : f32 to vector<16xf32>
    %gt3A_427 = arith.cmpf ogt, %max3A_389, %gt3A_426 : vector<16xf32>
    %mul3A_428 = arith.mulf %max3A_389, %mul3A_424 : vector<16xf32>
    %jit3A_429 = arith.constant 0.000000e+00 : f32
    %broadcast_in_dim3A_430 = vector.broadcast %jit3A_429 : f32 to vector<16xf32>
    %select_n3A_431 = arith.select %gt3A_427, %mul3A_428, %broadcast_in_dim3A_430 : vector<16xi1>, vector<16xf32>
    %neg3A_432 = arith.constant 0.000000e+00 : f32
    %neg3A_433 = vector.broadcast %neg3A_432 : f32 to vector<16xf32>
    %neg3A_434 = arith.subf %neg3A_433, %select_n3A_431 : vector<16xf32>
    %swap3A_435 = arith.constant 112 : index
    %swap3A_436 = tpu.vector_load %arg17[%swap3A_435] {strides = array<i32>} : memref<128xf32, #tpu.memory_space<vmem>>, vector<16xf32>,
    tpu.vector_store %arg17[%swap3A_435], %neg3A_434 {strides = array<i32>} : memref<128xf32, #tpu.memory_space<vmem>>, vector<16xf32>,
    "tpu.region"() ({
      %run_scoped3A = tpu.sem_alloc : memref<!tpu.dma_semaphore, #tpu.memory_space<semaphore_mem>>
      %dma_start3A_437 = tpu.memref_slice %arg7[%mul3A_2] : memref<4096xf32, #tpu.memory_space<hbm>> -> memref<128xf32, #tpu.memory_space<hbm>>
      %dma_start3A_438 = tpu.memref_slice %arg7[%mul3A_2] : memref<4096xf32, #tpu.memory_space<hbm>> -> memref<128xf32, #tpu.memory_space<hbm>>
      tpu.enqueue_dma source(%arg17 : memref<128xf32, #tpu.memory_space<vmem>>) target(%dma_start3A_438 : memref<128xf32, #tpu.memory_space<hbm>>) target_semaphore(%run_scoped3A : memref<!tpu.dma_semaphore, #tpu.memory_space<semaphore_mem>>)
      %dma_wait3A_439 = tpu.memref_slice %arg7[%mul3A_2] : memref<4096xf32, #tpu.memory_space<hbm>> -> memref<128xf32, #tpu.memory_space<hbm>>
      %dma_wait3A_440 = tpu.memref_slice %arg7[%mul3A_2] : memref<4096xf32, #tpu.memory_space<hbm>> -> memref<128xf32, #tpu.memory_space<hbm>>
      tpu.wait_dma2 semaphore(%run_scoped3A : memref<!tpu.dma_semaphore, #tpu.memory_space<semaphore_mem>>) src(%arg17 : memref<128xf32, #tpu.memory_space<vmem>>) dst(%dma_wait3A_440 : memref<128xf32, #tpu.memory_space<hbm>>)
      tpu.yield
    }) : () -> ()
    return
  }
}

</mosaic_0001>

<sc_bundles>
// kernel: kernel.3.cloned.1.call-start
scs
__scs_entry_jumppad:
0x0: {  	(pc) =	sbr.rel $0x88, $3  }
0x1: {  	(tag) =	ssettag $0x0;
	lr =	simm.s32 $0x1  }
0x2: {  	[smem:$0x3F9C] =	sst lr;
	_ =	strace $0xD0000000  }
0x3: {  	_ = 	snop  }
0x4: {  	_ = 	snop  }
0x5: {  	_ = 	snop  }
0x6: {  	_ = 	snop  }
0x7: {  	_ = 	snop  }
__scs_overlays_trampoline_lowered:
0x8: {  	[smem:$0x3FAB] =	sst s0  }
0x9: {  	[smem:$0x3FAC] =	sst s1  }
0xa: {  	[smem:$0x3FAD] =	sst s2  }
0xb: {  	[smem:$0x3FAE] =	sst s3  }
0xc: {  	[smem:$0x3FAF] =	sst s4  }
0xd: {  	[smem:$0x3FB0] =	sst s5  }
0xe: {  	[smem:$0x3FB1] =	sst s6  }
0xf: {  	[smem:$0x3FB2] =	sst s7  }
0x10: {  	[smem:$0x3FB3] =	sst s8  }
0x11: {  	[smem:$0x3FB4] =	sst s9;
	s0 =	simm.s32 @!p0 $0x0  }
0x12: {  	s1 =	sld [smem:$0x3F9A];
	s0 =	simm.s32 @p0 $0x1  }
0x13: {  	[smem:$0x3FB5] =	sst s0;
	s0 =	simm.s32 @!p1 $0x0  }
0x14: {  	s2 =	sld [smem:$0x3F99];
	s0 =	simm.s32 @p1 $0x1  }
0x15: {  	[smem:$0x3FB6] =	sst s0;
	s0 =	simm.s32 @!p2 $0x0  }
0x16: {  	s3 =	sld [smem:$0x3FDB];
	s0 =	simm.s32 @p2 $0x1  }
0x17: {  	s4 =	simm.s32 $0x1BF5;
	[smem:$0x3FB8] =	sst s0  }
0x18: {  	s0 =	sld [smem:$0x3F9B];
	_ =	swait.ge [sflag:s4], $0x0  }
0x19: {  	s7 =	sld [smem:$0x3F9C]  }
0x1a: {  	s8 =	sadd.s32 $0xFFFFE003, lr  }
0x1b: {  	s9 =	sadd.s32 $0xFFFFFEF7, lr;
	s5 =	simm.s32 $0xFFFFFFFF;
	p2 =	slt.u32 s8, $0xFFFFF086  }
0x1c: {  	p1 =	slt.u32 s9, $0xF7A;
	s5 =	simm.s32 @!p2 $0x0  }
0x1d: {  	s5 =	simm.s32 @p1 $0x1;
	p0 =	seq.s32 s7, s2  }
0x1e: {  	s7 =	smul.u32 @!p0 $0xF7A, s2;
	p2 =	seq.s32 @!p0 s5, $0x0  }
0x1f: {  	s9 =	smul.u32 $0xF7A, s1;
	s8 =	simm.s32 @!p0 $0x1BF5;
	p2 =	por !p2, p0  }
0x20: {  	[sflag:s8] =	ssyncset.s32 @!p0 $0xFFFFF086;
	s6 =	sadd.s32 @!p0 s3, s7;
	s7 =	simm.s32 @!p0 $0x108  }
0x21: {  	s3 =	sadd.s32 s3, s9;
	s6 =	sadd.s32 @!p0 $0x88, s6;
	s7 =	simm.s32 @p2 $0x1082  }
0x22: {  	[simem:s7], [sflag:s8] =	dma.local @!p0 [hbm:s6], $0xF7A  }
0x23: {  	s9 =	sor.u32 $0xD0000000, s2;
	s6 =	simm.s32 $0x108;
	_ =	swait.ge @!p0 [sflag:s8], $0x0  }
0x24: {  	s3 =	sadd.s32 $0x88, s3;
	s6 =	simm.s32 @!p1 $0x1082;
	[sflag:s4] =	ssyncset.s32 $0xFFFFF086  }
0x25: {  	[simem:s6], [sflag:s4] =	dma.local [hbm:s3], $0xF7A  }
0x26: {  	[smem:$0x3F9C] =	sst s1;
	(tag) =	ssettag s2;
	_ =	strace s9  }
0x27: {  	s1 =	sld [smem:$0x3FAC]  }
0x28: {  	s2 =	sld [smem:$0x3FAD]  }
0x29: {  	s4 =	sld [smem:$0x3FAF]  }
0x2a: {  	p0 =	seq.s32 s5, $0x0;
	s5 =	sld [smem:$0x3FB0]  }
0x2b: {  	s6 =	sld [smem:$0x3FB1]  }
0x2c: {  	s7 =	sld [smem:$0x3FB2]  }
0x2d: {  	s3 =	simm.s32 $0x108;
	s8 =	sld [smem:$0x3FB3]  }
0x2e: {  	s3 =	simm.s32 @!p0 $0x1082;
	s9 =	sld [smem:$0x3FB4]  }
0x2f: {  	lr =	sadd.s32 s0, s3;
	s0 =	sld [smem:$0x3FAB]  }
0x30: {  	s3 =	sld [smem:$0x3FAE]  }
0x31: {  	[smem:$0x3FB7] =	sst s10  }
0x32: {  	s10 =	sld [smem:$0x3FB5];
	_ =	sdelay $0x3  }
0x33: {  	p0 =	seq.s32 s10, $0x1;
	s10 =	sld [smem:$0x3FB7];
	_ =	sdelay $0x3  }
0x34: {  	[smem:$0x3FB7] =	sst s10  }
0x35: {  	s10 =	sld [smem:$0x3FB6];
	_ =	sdelay $0x3  }
0x36: {  	p1 =	seq.s32 s10, $0x1;
	s10 =	sld [smem:$0x3FB7];
	_ =	sdelay $0x3  }
0x37: {  	[smem:$0x3FB7] =	sst s10  }
0x38: {  	s10 =	sld [smem:$0x3FB8]  }
0x39: {  	_ = 	snop;
	(pc) =	sbr.ind lr, $3  }
0x3a: {  	_ = 	snop  }
0x3b: {  	_ = 	snop  }
0x3c: {  	p2 =	seq.s32 s10, $0x1;
	s10 =	sld [smem:$0x3FB7]  }
0x3d: {  	_ =	shalt  }
0x3e: {  	_ =	shalt  }
0x3f: {  	_ =	shalt  }
0x40: {  	_ =	shalt  }
0x41: {  	_ =	shalt  }
0x42: {  	_ =	shalt  }
0x43: {  	_ =	shalt  }
0x44: {  	_ =	shalt  }
0x45: {  	_ =	shalt  }
0x46: {  	_ =	shalt  }
0x47: {  	_ =	shalt  }
0x48: {  	_ =	shalt  }
0x49: {  	_ =	shalt  }
0x4a: {  	_ =	shalt  }
0x4b: {  	_ =	shalt  }
0x4c: {  	_ =	shalt  }
0x4d: {  	_ =	shalt  }
0x4e: {  	_ =	shalt  }
0x4f: {  	_ =	shalt  }
0x50: {  	_ =	shalt  }
0x51: {  	_ =	shalt  }
0x52: {  	_ =	shalt  }
0x53: {  	_ =	shalt  }
0x54: {  	_ =	shalt  }
0x55: {  	_ =	shalt  }
0x56: {  	_ =	shalt  }
0x57: {  	_ =	shalt  }
0x58: {  	_ =	shalt  }
0x59: {  	_ =	shalt  }
0x5a: {  	_ =	shalt  }
0x5b: {  	_ =	shalt  }
0x5c: {  	_ =	shalt  }
0x5d: {  	_ =	shalt  }
0x5e: {  	_ =	shalt  }
0x5f: {  	_ =	shalt  }
0x60: {  	_ =	shalt  }
0x61: {  	_ =	shalt  }
0x62: {  	_ =	shalt  }
0x63: {  	_ =	shalt  }
0x64: {  	_ =	shalt  }
0x65: {  	_ =	shalt  }
0x66: {  	_ =	shalt  }
0x67: {  	_ =	shalt  }
0x68: {  	_ =	shalt  }
0x69: {  	_ =	shalt  }
0x6a: {  	_ =	shalt  }
0x6b: {  	_ =	shalt  }
0x6c: {  	_ =	shalt  }
0x6d: {  	_ =	shalt  }
0x6e: {  	_ =	shalt  }
0x6f: {  	_ =	shalt  }
0x70: {  	_ =	shalt  }
0x71: {  	_ =	shalt  }
0x72: {  	_ =	shalt  }
0x73: {  	_ =	shalt  }
0x74: {  	_ =	shalt  }
0x75: {  	_ =	shalt  }
0x76: {  	_ =	shalt  }
0x77: {  	_ =	shalt  }
0x78: {  	_ =	shalt  }
0x79: {  	_ =	shalt  }
0x7a: {  	_ =	shalt  }
0x7b: {  	_ =	shalt  }
0x7c: {  	_ =	shalt  }
0x7d: {  	_ =	shalt  }
0x7e: {  	_ =	shalt  }
0x7f: {  	_ =	shalt  }
0x80: {  	_ =	shalt  }
0x81: {  	_ =	shalt  }
0x82: {  	_ =	shalt  }
0x83: {  	_ =	shalt  }
0x84: {  	_ =	shalt  }
0x85: {  	_ =	shalt  }
0x86: {  	_ =	shalt  }
0x87: {  	_ =	shalt  }
.Lfunc_end0:
.L_simem_size_0:
called_computation_lowered:
.L_overlay_start_0:
0x88: {  	s2 =	sld [smem:$0x3FD9]  }
0x89: {  	s3 =	sld [smem:$0x3FFE];
	_ =	sdelay $0x1  }
0x8a: {  	s1 =	srdreg.scid  }
0x8b: {  	s0 =	sand.u32 $0x1, s1  }
0x8c: {  	s17 =	sshll.u32 s0, $0xA;
	s2 =	sadd.s32 s3, s2  }
0x8d: {  	s2 =	sadd.s32 s2, s17  }
0x8e: {  	[smem:$0x3FC3] =	sst s2  }
0x8f: {  	_ = 	snop  }
0x90: {  	s2 =	sld [smem:$0x3FC9]  }
0x91: {  	s18 =	sld [smem:$0x3FC8]  }
0x92: {  	s4 =	sld [smem:$0x3FC7]  }
0x93: {  	s5 =	sld [smem:$0x3FC6]  }
0x94: {  	s6 =	sld [smem:$0x3FD0];
	(tm) =	ssettm $0x1  }
0x95: {  	s7 =	sld [smem:$0x3FFB];
	_ =	sdelay $0x3  }
0x96: {  	_ =	strace s7  }
0x97: {  	s7 =	sld [smem:$0x3FFC];
	_ =	sdelay $0x3  }
0x98: {  	_ =	strace s7  }
0x99: {  	s7 =	sld [smem:$0x3FFD];
	_ =	sdelay $0x3  }
0x9a: {  	_ =	strace s7  }
0x9b: {  	_ =	strace $0x8FFFFFFF  }
0x9c: {  	s19 =	sld [smem:$0x3FDB];
	_ =	sdelay $0x1  }
0x9d: {  	s8 =	simm.s32 $_scs_section_size  }
0x9e: {  	s9 =	simm.s32 $_size__tile_overlayer_lowered;
	s10 =	simm.s32 $_tile_overlayer_lowered  }
0x9f: {  	s22 =	simm.s32 $0x1BFF;
	s21 =	sshll.u32 s10, $0x1;
	s7 =	sadd.s32 s8, s19  }
0xa0: {  	s11 =	simm.s32 $0x0;
	s20 =	sshll.u32 s9, $0x1;
	s9 =	sadd.s32 s21, s7  }
0xa1: {  	[timem:s11], [sflag:s22] =	dma.local [hbm:s9], s20  }
0xa2: {  	_ =	swait.ge [sflag:s22], s20  }
0xa3: {  	s8 =	ssub.s32 $0x0, s20;
	[sflag:s22] =	ssyncset.done $0x0  }
0xa4: {  	[sflag:s22] =	ssyncadd.s32 s8;
	_ =	sdelay $0x1  }
0xa5: {  	s23 =	simm.s32 $0x1B8B  }
0xa6: {  	_ =	swait.ge [sflag:s23], $0x1  }
0xa7: {  	[sflag:s23] =	ssyncset.done $0x0  }
0xa8: {  	s25 =	simm.s32 $0x1B8E;
	s24 =	sld [smem:$0x3FFE];
	[sflag:s23] =	ssyncadd.s32 $0xFFFFFFFF  }
0xa9: {  	s26 =	simm.s32 $execute0_lowered;
	[smem:$0x3FD2] =	sst s25  }
0xaa: {  	s9 =	sshll.u32 s26, $0x1;
	_ =	strace $0x80000046;
	[dreg:$0x1] =	wrdreg $0xFFFFFFFF  }
0xab: {  	s28 =	simm.s32 $_size_execute0_lowered;
	s7 =	sadd.s32 s7, s9;
	[dreg:$0x0] =	wrdreg $0x0  }
0xac: {  	s9 =	sshll.u32 s28, $0x1;
	[dreg:$0x2] =	wrdreg s7  }
0xad: {  	[dreg:$0x3] =	wrdreg s9  }
0xae: {  	[dreg:$0x4] =	wrdreg $0xC0  }
0xaf: {  	_ =	task [dreg:s11], $0x5FFFF  }
0xb0: {  	[dreg:$0x1] =	wrdreg $0xFFFFFFFF  }
0xb1: {  	[dreg:$0x0] =	wrdreg $0x60  }
0xb2: {  	[dreg:$0x2] =	wrdreg s2  }
0xb3: {  	[dreg:$0x3] =	wrdreg s18  }
0xb4: {  	[dreg:$0x4] =	wrdreg s4  }
0xb5: {  	[dreg:$0x5] =	wrdreg s5  }
0xb6: {  	[dreg:$0x6] =	wrdreg s24  }
0xb7: {  	[dreg:$0x7] =	wrdreg s6  }
0xb8: {  	[dreg:$0x8] =	wrdreg $0x9  }
0xb9: {  	_ =	task.clear_ibuf [dreg:s11], $0x9FFFF;
	_ =	strace $0x90000046  }
0xba: {  	s29 =	simm.s32 $0x9;
	_ =	strace $0x80000048  }
0xbb: {  	_ =	swait.ge [sflag:s29], $0x1  }
0xbc: {  	[sflag:s29] =	ssyncadd.s32 $0xFFFFFFFF  }
0xbd: {  	_ =	strace $0x90000048  }
0xbe: {  	_ =	sfence  }
0xbf: {  	s30 =	sld [smem:$0x0];
	_ =	sdelay $0x2  }
0xc0: {  	s31 =	sshll.u32 s1, $0xD;
	s1 =	sshrl.u32 s1, $0x2  }
0xc1: {  	s3 =	sand.u32 $0x4000, s31;
	s1 =	sadd.s32 s1, s30  }
0xc2: {  	s0 =	sor.u32 s3, s0;
	s1 =	sshll.u32 s1, $0x11  }
0xc3: {  	s0 =	sor.u32 s1, s0  }
0xc4: {  	s0 =	sadd.s32 $0x8F2B, s0  }
0xc5: {  	[sflag:s0] =	ssyncadd.remote.s32 $0x1  }
0xc6: {  	_ =	sfence.sel $0xFFFF  }
0xc7: {  	[dreg:$0x0] =	wrdreg $0xFFFFFFFF;
	(pc) =	sbr.abs _section_cstart, $3  }
0xc8: {  	[dreg:$0x1] =	wrdreg $0xFFFFFFFF  }
0xc9: {  	_ =	task.clear_ibuf [dreg:s11], $0x2FFFF;
	_ =	strace $0x9FFFFFFF  }
0xca: {  	(tm) =	ssettm $0x7FFFFFFF  }
0xcb: {  	_ =	shalt  }
tec
execute0_lowered:
.L_overlay_start_1:
0x0: {  	(tag) =	ssettag $0x1  }
0x1: {  	s5 =	rddreg [dreg:$0x0]  }
0x2: {  	s6 =	rddreg [dreg:$0x1]  }
0x3: {  	s7 =	rddreg [dreg:$0x2]  }
0x4: {  	s1 =	rddreg [dreg:$0x3]  }
0x5: {  	s4 =	rddreg [dreg:$0x4]  }
0x6: {  	s8 =	rddreg [dreg:$0x5]  }
0x7: {  	s0 =	rddreg [dreg:$0x6]  }
0x8: {  	s3 =	simm.s32 $0x0;
	s9 =	srdreg.scid;
	s2 =	stileid.u32  }
0x9: {  	s13 =	simm.s32 $0x8180;
	s14 =	simm.s32 $0x180;
	s15 =	simm.s32 $0x4180  }
0xa: {  	s16 =	simm.s32 $0x3;
	s17 =	simm.s32 $0x1;
	s18 =	simm.s32 $0x2  }
0xb: {  	s19 =	simm.s32 $0xE180;
	s20 =	simm.s32 $0xE200;
	s21 =	simm.s32 $0x0  }
0xc: {  	[smem:$0x7FF] =	sst s3;
	s9 =	sand.u32 $0x1, s9;
	s11 =	sshll.u32 s2, $0x5  }
0xd: {  	s4 =	sadd.s32 $0x400, s4;
	s10 =	ssub.s32 $0x2, s9;
	s9 =	sshll.u32 s9, $0x4  }
0xe: {  	_ =	strace $0x80000047;
	s12 =	sshrl.u32 s10, $0x1;
	s9 =	sor.u32 s9, s11  }
0xf: {  	s11 =	simm.s32 $0x80;
	s10 =	ssub.s32 s10, s12;
	s5 =	sadd.s32 s5, s9  }
0x10: {  	s6 =	sadd.s32 s6, s9;
	s7 =	sadd.s32 s7, s9;
	s8 =	sadd.s32 s8, s9  }
0x11: {  	vm0 =	vcmask $0x3F3C;
	s12 =	simm.s32 $0x100;
	s9 =	smax.u32 s10, $0x1;
	s10 =	simm.s32 $0x4  }
.LBB2_1:
0x12: {  	[tilespmem:s3], [sflag:$0x4] =	stream.linear.gather [hbm4b:s5+s3], $0x80, $0x38;
	[tilespmem:$0xE280] =	vst v63  }
0x13: {  	_ =	swait.ge [sflag:s10], $0x80  }
0x14: {  	[sflag:s10] =	ssyncset.done $0x0  }
0x15: {  	[sflag:s10] =	ssyncadd.s32 $0xFFFFFF80  }
0x16: {  	[tilespmem:s11], [sflag:$0x4] =	stream.linear.gather [hbm4b:s6+s3], $0x80, $0x38;
	[tilespmem:$0xE280] =	vst v63  }
0x17: {  	_ =	swait.ge [sflag:s10], $0x80  }
0x18: {  	[sflag:s10] =	ssyncset.done $0x0  }
0x19: {  	[sflag:s10] =	ssyncadd.s32 $0xFFFFFF80  }
0x1a: {  	[tilespmem:s12], [sflag:$0x4] =	stream.linear.gather [hbm4b:s7+s3], $0x80, $0x38;
	[tilespmem:$0xE280] =	vst v63  }
0x1b: {  	_ =	swait.ge [sflag:s10], $0x80  }
0x1c: {  	[sflag:s10] =	ssyncset.done $0x0  }
0x1d: {  	[sflag:s10] =	ssyncadd.s32 $0xFFFFFF80  }
0x1e: {  	[tilespmem:s13], [sflag:$0x3] =	stream.indirect.gather [hbm4b:s4+s11], $0x40, s11, s11, $0xb8;
	[tilespmem:$0xE280] =	vst v63  }
0x1f: {  	_ = 	snop  }
0x20: {  	[tilespmem:s14], [sflag:$0x1] =	stream.indirect.gather [hbm4b:s1+s11], $0x80, s3, s11, $0xb8;
	[tilespmem:$0xE280] =	vst v63  }
0x21: {  	_ = 	snop  }
0x22: {  	[tilespmem:s15], [sflag:$0x2] =	stream.indirect.gather [hbm4b:s1+s11], $0x80, s12, s11, $0xb8;
	[tilespmem:$0xE280] =	vst v63  }
0x23: {  	_ =	swait.ge [sflag:s16], $0x2000  }
0x24: {  	[sflag:s16] =	ssyncset.done $0x0  }
0x25: {  	s23 =	simm.s32 $0x0;
	[sflag:s16] =	ssyncadd.s32 $0xFFFFE000  }
0x26: {  	v12 =	vld [tilespmem:s23+$0x81A0]  }
0x27: {  	v6 =	vld [tilespmem:s23+$0x81B0]  }
0x28: {  	v4 =	vld [tilespmem:s23+$0x8190]  }
0x29: {  	v2 =	vld [tilespmem:s23+$0x8180];
	_ =	sdelay $0x3  }
0x2a: {  	v13 =	vmul.f32 v12, v12;
	v16 =	vmul.f32 v6, v6  }
0x2b: {  	v5 =	vmul.f32 v4, v4;
	v23 =	vmul.f32 v2, v2  }
0x2c: {  	v0 =	vmul.f32 $1.340053630e-03, v13;
	v1 =	vmul.f32 $7.992247110e-03, v13  }
0x2d: {  	v3 =	vmul.f32 $1.340053630e-03, v5;
	v8 =	vmul.f32 $1.340053630e-03, v16  }
0x2e: {  	s22 =	simm.s32 $0x40;
	v9 =	vmul.f32 $7.992247110e-03, v16;
	v10 =	vmul.f32 $7.992247110e-03, v5;
	v7 =	vsub.f32 $4.163630310e-02, v0  }
0x2f: {  	v15 =	vmul.f32 $7.992247110e-03, v23;
	v0 =	vld [tilespmem:s22+$0x81B0];
	v11 =	vsub.f32 $4.163630310e-02, v3;
	v8 =	vsub.f32 $4.163630310e-02, v8  }
0x30: {  	v1 =	vadd.f32 $-1.664971410e-01, v1;
	v3 =	vld [tilespmem:s22+$0x81A0];
	v17 =	vadd.f32 $-1.664971410e-01, v9;
	v9 =	vmul.f32 $1.340053630e-03, v23  }
0x31: {  	v21 =	vadd.f32 $-1.664971410e-01, v10;
	v20 =	vadd.f32 $-1.664971410e-01, v15;
	v8 =	vmul.f32 v8, v16  }
0x32: {  	v14 =	vmul.f32 v1, v13;
	v1 =	vld [tilespmem:s22+$0x8190];
	v10 =	vmul.f32 v7, v13;
	v9 =	vsub.f32 $4.163630310e-02, v9  }
0x33: {  	v11 =	vmul.f32 v11, v5;
	v21 =	vmul.f32 v21, v5;
	v18 =	vadd.f32 $-4.999939500e-01, v8  }
0x34: {  	v9 =	vmul.f32 v9, v23;
	v25 =	vadd.f32 $9.999788990e-01, v14;
	v7 =	vmul.f32 v0, v0  }
0x35: {  	v19 =	vadd.f32 $-4.999939500e-01, v10;
	v8 =	vmul.f32 v3, v3;
	v18 =	vmul.f32 v18, v16  }
0x36: {  	v11 =	vadd.f32 $-4.999939500e-01, v11;
	v16 =	vmul.f32 v17, v16;
	v25 =	vmul.f32 v25, v12  }
0x37: {  	v24 =	vadd.f32 $-4.999939500e-01, v9;
	v9 =	vld [tilespmem:s22+$0x8180];
	v10 =	vmul.f32 v1, v1;
	v22 =	vmul.f32 $1.340053630e-03, v8  }
0x38: {  	v26 =	vmul.f32 $7.992247110e-03, v8;
	v27 =	vadd.f32 $9.999998210e-01, v18;
	v18 =	vmul.f32 v20, v23  }
0x39: {  	v20 =	vmul.f32 v19, v13;
	v19 =	vadd.f32 $9.999788990e-01, v16;
	v17 =	vmul.f32 $1.340053630e-03, v10  }
0x3a: {  	v14 =	vsub.f32 $4.163630310e-02, v22;
	v22 =	vmul.f32 $7.992247110e-03, v7;
	v26 =	vadd.f32 $-1.664971410e-01, v26  }
0x3b: {  	v23 =	vmul.f32 v24, v23;
	[tilespmem:s23+$0xC1A0] =	vst v25;
	v15 =	vmul.f32 $7.992247110e-03, v10;
	v17 =	vsub.f32 $4.163630310e-02, v17  }
0x3c: {  	s24 =	simm.s32 $0x200;
	[tilespmem:s23+$0xA1B0] =	vst v27;
	v13 =	vmul.f32 v26, v8;
	v12 =	vadd.f32 $-1.664971410e-01, v22;
	v22 =	vmul.f32 $1.340053630e-03, v7;
	v16 =	vmovc v9  }
.LBB2_2:
0x3d: {  	s25 =	sshra.s32 s24, $0x2;
	p0 =	sne.s32 s24, $0x7F00;
	s24 =	sadd.s32 $0x100, s24;
	v24 =	vmul.f32 v16, v9;
	v16 =	vadd.f32 $9.999788990e-01, v21;
	v20 =	vadd.f32 $9.999998210e-01, v20  }
0x3e: {  	v19 =	vmul.f32 v19, v6;
	v6 =	vmovc v0;
	v21 =	vsub.f32 $4.163630310e-02, v22;
	v22 =	vadd.f32 $9.999998210e-01, v23;
	v0 =	vld [tilespmem:s25+$0x81B0]  }
0x3f: {  	v18 =	vadd.f32 $9.999788990e-01, v18;
	v23 =	vld [tilespmem:s25+$0x81A0];
	v25 =	vmul.f32 $1.340053630e-03, v24;
	v26 =	vmul.f32 v16, v4;
	[tilespmem:s23+$0xA1A0] =	vst v20;
	v4 =	vmovc v1  }
0x40: {  	v27 =	vadd.f32 $-1.664971410e-01, v15;
	v11 =	vmul.f32 v11, v5;
	v5 =	vmovc v10;
	v1 =	vld [tilespmem:s25+$0x8190];
	v15 =	vmul.f32 v21, v7;
	[tilespmem:s23+$0xA180] =	vst v22  }
0x41: {  	v14 =	vmul.f32 v14, v8;
	v20 =	vmul.f32 $7.992247110e-03, v24;
	v16 =	vld [tilespmem:s25+$0x8180];
	v10 =	vsub.f32 $4.163630310e-02, v25;
	[tilespmem:s23+$0xC1B0] =	vst v19  }
0x42: {  	v17 =	vmul.f32 v17, v5;
	v19 =	vadd.f32 $9.999998210e-01, v11;
	v15 =	vadd.f32 $-4.999939500e-01, v15;
	[tilespmem:s23+$0xC190] =	vst v26  }
0x43: {  	v22 =	vadd.f32 $-4.999939500e-01, v14;
	v14 =	vmul.f32 v18, v2;
	v2 =	vmovc v9;
	v21 =	vmul.f32 v0, v0  }
0x44: {  	v11 =	vadd.f32 $-4.999939500e-01, v17;
	v28 =	vmul.f32 v10, v24;
	v25 =	vmul.f32 v23, v23;
	[tilespmem:s23+$0xA190] =	vst v19  }
0x45: {  	v17 =	vadd.f32 $-1.664971410e-01, v20;
	v18 =	vmul.f32 v15, v7;
	v10 =	vmul.f32 v1, v1;
	[tilespmem:s23+$0xC180] =	vst v14;
	s23 =	smov.u32 s22;
	s22 =	smov.u32 s25  }
0x46: {  	v13 =	vadd.f32 $9.999788990e-01, v13;
	v26 =	vadd.f32 $-4.999939500e-01, v28;
	v14 =	vmul.f32 $1.340053630e-03, v25;
	v9 =	vmovc v16  }
0x47: {  	v19 =	vmul.f32 $7.992247110e-03, v25;
	v20 =	vadd.f32 $9.999998210e-01, v18;
	v15 =	vmul.f32 $7.992247110e-03, v10  }
.Ltmp0:
0x48: {  	v12 =	vmul.f32 v12, v7;
	v28 =	vmul.f32 $7.992247110e-03, v21;
	v7 =	vmovc v21;
	v14 =	vsub.f32 $4.163630310e-02, v14;
	(pc) =	sbr.rel @p0 .LBB2_2-.Ltmp0, $4  }
0x49: {  	v18 =	vmul.f32 v17, v24;
	v21 =	vmul.f32 $1.340053630e-03, v10;
	v29 =	vadd.f32 $-1.664971410e-01, v19;
	[tilespmem:s23+$0xA1B0] =	vst v20  }
0x4a: {  	v30 =	vmul.f32 v13, v3;
	v3 =	vmovc v23;
	v19 =	vadd.f32 $9.999788990e-01, v12;
	v20 =	vmul.f32 v22, v8;
	v8 =	vmovc v25  }
0x4b: {  	v17 =	vsub.f32 $4.163630310e-02, v21;
	v21 =	vmul.f32 v27, v5;
	v13 =	vmul.f32 v29, v8  }
0x4c: {  	v23 =	vmul.f32 v26, v24;
	v12 =	vadd.f32 $-1.664971410e-01, v28;
	v22 =	vmul.f32 $1.340053630e-03, v7;
	[tilespmem:s23+$0xC1A0] =	vst v30  }
0x4d: {  	v16 =	vmul.f32 v16, v9  }
0x4e: {  	v21 =	vadd.f32 $9.999788990e-01, v21;
	v20 =	vadd.f32 $9.999998210e-01, v20;
	v6 =	vmul.f32 v19, v6  }
0x4f: {  	v18 =	vadd.f32 $9.999788990e-01, v18;
	v15 =	vadd.f32 $-1.664971410e-01, v15;
	v5 =	vmul.f32 v11, v5  }
0x50: {  	v14 =	vmul.f32 v14, v8;
	v17 =	vmul.f32 v17, v10;
	v13 =	vadd.f32 $9.999788990e-01, v13  }
0x51: {  	v22 =	vsub.f32 $4.163630310e-02, v22;
	v49 =	vmul.f32 v12, v7;
	v42 =	vmul.f32 $1.340053630e-03, v16  }
0x52: {  	v23 =	vadd.f32 $9.999998210e-01, v23;
	v4 =	vmul.f32 v21, v4;
	[tilespmem:s23+$0xA1A0] =	vst v20;
	v45 =	vmul.f32 $7.992247110e-03, v16  }
0x53: {  	v5 =	vadd.f32 $9.999998210e-01, v5;
	v14 =	vadd.f32 $-4.999939500e-01, v14;
	[tilespmem:s23+$0xC1B0] =	vst v6;
	v2 =	vmul.f32 v18, v2  }
0x54: {  	v48 =	vadd.f32 $-4.999939500e-01, v17;
	v3 =	vmul.f32 v13, v3;
	v43 =	vmul.f32 v22, v7;
	[tilespmem:s23+$0xA180] =	vst v23  }
0x55: {  	v53 =	vadd.f32 $9.999788990e-01, v49;
	v44 =	vsub.f32 $4.163630310e-02, v42;
	[tilespmem:s23+$0xC190] =	vst v4;
	v51 =	vmul.f32 v14, v8  }
0x56: {  	v52 =	vadd.f32 $-1.664971410e-01, v45;
	[tilespmem:s23+$0xC180] =	vst v2;
	v2 =	vmul.f32 v15, v10;
	v4 =	vmul.f32 v48, v10  }
0x57: {  	[tilespmem:s23+$0xA190] =	vst v5;
	v46 =	vadd.f32 $-4.999939500e-01, v43;
	v0 =	vmul.f32 v53, v0;
	v11 =	vmul.f32 v44, v16  }
0x58: {  	[tilespmem:s22+$0xC1A0] =	vst v3;
	v6 =	vadd.f32 $9.999998210e-01, v51;
	v54 =	vmul.f32 v52, v16;
	v2 =	vadd.f32 $9.999788990e-01, v2  }
0x59: {  	v47 =	vmul.f32 v46, v7;
	[tilespmem:s22+$0xC1B0] =	vst v0;
	v0 =	vadd.f32 $9.999998210e-01, v4;
	v11 =	vadd.f32 $-4.999939500e-01, v11  }
0x5a: {  	[tilespmem:s22+$0xA1A0] =	vst v6;
	v55 =	vadd.f32 $9.999788990e-01, v54;
	v1 =	vmul.f32 v2, v1  }
0x5b: {  	v50 =	vadd.f32 $9.999998210e-01, v47;
	[tilespmem:s22+$0xA190] =	vst v0;
	v11 =	vmul.f32 v11, v16  }
0x5c: {  	[tilespmem:s22+$0xC190] =	vst v1;
	v1 =	vmul.f32 v55, v9  }
0x5d: {  	[tilespmem:s22+$0xA1B0] =	vst v50;
	v3 =	vadd.f32 $9.999998210e-01, v11  }
0x5e: {  	[tilespmem:s22+$0xC180] =	vst v1  }
0x5f: {  	[tilespmem:s22+$0xA180] =	vst v3  }
0x60: {  	_ =	swait.ge [sflag:s17], $0x4000  }
0x61: {  	[sflag:s17] =	ssyncset.done $0x0  }
0x62: {  	[sflag:s17] =	ssyncadd.s32 $0xFFFFC000  }
0x63: {  	_ =	swait.ge [sflag:s18], $0x4000  }
0x64: {  	[sflag:s18] =	ssyncset.done $0x0  }
0x65: {  	s22 =	simm.s32 $0x1C0;
	[sflag:s18] =	ssyncadd.s32 $0xFFFFC000  }
0x66: {  	s23 =	simm.s32 $0x41C0;
	v0 =	vld [tilespmem:s22+$0xFFFFFFD0]  }
0x67: {  	v1 =	vld [tilespmem:s23+$0x10]  }
0x68: {  	v2 =	vld [tilespmem:s23+$0xFFFFFFD0]  }
0x69: {  	v3 =	vld [tilespmem:s22+$0x10]  }
0x6a: {  	v4 =	vld [tilespmem:s23+$0xFFFFFFF0]  }
0x6b: {  	v60 =	vld [tilespmem:s22+$0x30]  }
0x6c: {  	v63 =	vld [tilespmem:s23+$0x20]  }
0x6d: {  	v30 =	vld [tilespmem:s23+$0xFFFFFFE0]  }
0x6e: {  	v31 =	vld [tilespmem:s22+$0xFFFFFFC0];
	v58 =	vmul.f32 v1, v0;
	v59 =	vmul.f32 v2, v0  }
0x6f: {  	v32 =	vld [tilespmem:s23+$0x0];
	v61 =	vmul.f32 v1, v3;
	v62 =	vmul.f32 v2, v3  }
0x70: {  	v34 =	vld [tilespmem:s23+$0xFFFFFFC0];
	v0 =	vmul.f32 v0, v0;
	v3 =	vmul.f32 v3, v3  }
0x71: {  	v35 =	vld [tilespmem:s22+$0x0];
	v2 =	vmul.f32 v2, v2;
	v33 =	vmul.f32 v4, v4  }
0x72: {  	v37 =	vld [tilespmem:s22+$0x20];
	v1 =	vmul.f32 v1, v1;
	v36 =	vmul.f32 v4, v60  }
0x73: {  	v41 =	vld [tilespmem:s22+$0xFFFFFFE0];
	v38 =	vmul.f32 v30, v30;
	v39 =	vmul.f32 v60, v60  }
0x74: {  	v47 =	vld [tilespmem:s23+$0x30];
	v40 =	vmul.f32 v31, v31;
	v42 =	vmul.f32 v63, v63  }
0x75: {  	v27 =	vld [tilespmem:s22+$0xFFFFFFF0];
	v44 =	vmul.f32 v32, v31;
	v24 =	vmul.f32 v32, v32  }
0x76: {  	v14 =	vmul.f32 v34, v31;
	v25 =	vmul.f32 v34, v34  }
0x77: {  	v46 =	vmul.f32 v34, v35;
	v26 =	vmul.f32 v37, v37  }
0x78: {  	s24 =	simm.s32 $0xA1A0;
	v48 =	vmul.f32 v30, v37;
	v12 =	vmul.f32 v63, v41  }
0x79: {  	s25 =	simm.s32 $0xC1A0;
	v57 =	vld [tilespmem:s24+$0xFFFFFFF0];
	v52 =	vmul.f32 v41, v41;
	v9 =	vmul.f32 v47, v60  }
0x7a: {  	v56 =	vld [tilespmem:s25+$0xFFFFFFF0];
	v13 =	vmul.f32 v30, v41;
	v4 =	vmul.f32 v4, v27;
	v8 =	vadd.f32 v61, v59  }
0x7b: {  	v43 =	vld [tilespmem:s25+$0xFFFFFFE0];
	v7 =	vsub.f32 v58, v62;
	v0 =	vadd.f32 v3, v0;
	v3 =	vmul.f32 v32, v35  }
0x7c: {  	v10 =	vsub.f32 v44, v46;
	v1 =	vadd.f32 v1, v2;
	v2 =	vmul.f32 v63, v37  }
0x7d: {  	v49 =	vld [tilespmem:s25+$0x0];
	v51 =	vadd.f32 v42, v38;
	v12 =	vsub.f32 v12, v48;
	v58 =	vmul.f32 v47, v47  }
0x7e: {  	v45 =	vld [tilespmem:s24+$0xFFFFFFE0];
	v54 =	vadd.f32 v24, v25;
	v59 =	vmul.f32 v27, v27;
	v6 =	vmul.f32 v8, v57  }
0x7f: {  	v55 =	vld [tilespmem:s24+$0x0];
	v4 =	vadd.f32 v9, v4;
	v5 =	vmul.f32 v7, v56;
	v7 =	vmul.f32 v35, v35  }
0x80: {  	v3 =	vadd.f32 v3, v14;
	v50 =	vmul.f32 v10, v43;
	v14 =	vadd.f32 v26, v52  }
0x81: {  	v53 =	vld [tilespmem:s25+$0x10];
	v57 =	vmul.f32 v47, v27;
	v2 =	vadd.f32 v2, v13;
	v0 =	vadd.f32 v1, v0  }
0x82: {  	v56 =	vld [tilespmem:s24+$0x10];
	v12 =	vmul.f32 v12, v49;
	v62 =	vadd.f32 v39, v59;
	v63 =	vadd.f32 v58, v33  }
0x83: {  	v5 =	vadd.f32 v5, v6;
	v7 =	vadd.f32 v7, v40;
	v3 =	vmul.f32 v3, v45  }
0x84: {  	v8 =	vsub.f32 v57, v36;
	v60 =	vadd.f32 v51, v14;
	v2 =	vmul.f32 v2, v55  }
0x85: {  	v5 =	vadd.f32 v5, v5;
	v3 =	vadd.f32 v50, v3  }
0x86: {  	v7 =	vadd.f32 v54, v7;
	v2 =	vadd.f32 v12, v2  }
0x87: {  	v61 =	vmul.f32 v8, v53;
	v1 =	vmul.f32 v4, v56;
	v3 =	vadd.f32 v3, v3  }
0x88: {  	v0 =	vsub.f32 v0, v5;
	v2 =	vadd.f32 v2, v2  }
0x89: {  	v1 =	vadd.f32 v61, v1;
	v3 =	vsub.f32 v7, v3  }
0x8a: {  	v4 =	vadd.f32 v63, v62;
	v2 =	vsub.f32 v60, v2  }
0x8b: {  	v1 =	vadd.f32 v1, v1;
	v0 =	vadd.f32 v0, v3;
	_ =	sdelay $0x1  }
0x8c: {  	v1 =	vsub.f32 v4, v1;
	v0 =	vadd.f32 v2, v0;
	_ =	sdelay $0x1  }
0x8d: {  	v1 =	vadd.f32 v1, v0;
	_ =	sdelay $0x1  }
0x8e: {  	(xrf2) =	vadd.scan.msk.f32 $0xffff, v1;
	_ =	sdelay $0x2  }
0x8f: {  	s31 =	simm.s32 $0x0  }
0x90: {  	s28 =	simm.s32 $0x1;
	s25 =	simm.s32 $0xC1E0;
	s24 =	simm.s32 $0xA1E0;
	v0 =	vmov s31  }
.LBB2_4:
0x91: {  	s26 =	smov.u32 s28  }
0x92: {  	v1 =	vmov s28;
	s23 =	sadd.s32 $0x80, s23;
	s22 =	sadd.s32 $0x80, s22;
	s26 =	sadd.s32 $0x1, s28  }
0x93: {  	p0 =	sne.s32 s28, $0x7F;
	_ =	sdelay $0x2  }
0x94: {  	v2, _, _ =	vpop (xrf2)  }
0x95: {  	[tilespmem:v0+s19+$0x0] =	vst.idx.msk vm0, v2;
	v0 =	vmov v1  }
0x96: {  	v1 =	vld [tilespmem:s22+$0xFFFFFFD0]  }
0x97: {  	v2 =	vld [tilespmem:s23+$0x10]  }
0x98: {  	v3 =	vld [tilespmem:s23+$0xFFFFFFD0]  }
0x99: {  	v4 =	vld [tilespmem:s22+$0x10]  }
0x9a: {  	v5 =	vld [tilespmem:s23+$0xFFFFFFF0]  }
0x9b: {  	v6 =	vld [tilespmem:s25+$0xFFFFFFF0]  }
0x9c: {  	v7 =	vld [tilespmem:s24+$0xFFFFFFF0];
	v8 =	vmul.f32 v2, v1  }
0x9d: {  	v9 =	vmul.f32 v3, v1;
	v1 =	vmul.f32 v1, v1;
	v10 =	vld [tilespmem:s22+$0x30]  }
0x9e: {  	v11 =	vmul.f32 v2, v4;
	v12 =	vmul.f32 v3, v4;
	v13 =	vld [tilespmem:s23+$0x20]  }
0x9f: {  	v4 =	vmul.f32 v4, v4;
	v3 =	vmul.f32 v3, v3;
	v14 =	vld [tilespmem:s23+$0xFFFFFFE0]  }
0xa0: {  	v15 =	vld [tilespmem:s22+$0xFFFFFFC0];
	v9 =	vadd.f32 v11, v9;
	v8 =	vsub.f32 v8, v12  }
0xa1: {  	v1 =	vadd.f32 v4, v1;
	v4 =	vmul.f32 v5, v5;
	v11 =	vld [tilespmem:s23+$0x0]  }
0xa2: {  	v12 =	vld [tilespmem:s23+$0xFFFFFFC0];
	v7 =	vmul.f32 v9, v7;
	v6 =	vmul.f32 v8, v6  }
0xa3: {  	v2 =	vmul.f32 v2, v2;
	v9 =	vmul.f32 v5, v10;
	v8 =	vld [tilespmem:s22+$0x0]  }
0xa4: {  	v17 =	vmul.f32 v10, v10;
	v6 =	vadd.f32 v6, v7;
	v7 =	vld [tilespmem:s22+$0x20];
	v16 =	vmul.f32 v14, v14  }
0xa5: {  	v20 =	vmul.f32 v13, v13;
	v18 =	vmul.f32 v15, v15;
	v19 =	vld [tilespmem:s22+$0xFFFFFFE0]  }
0xa6: {  	v21 =	vld [tilespmem:s25+$0xFFFFFFE0];
	v22 =	vmul.f32 v11, v15;
	v23 =	vmul.f32 v11, v11;
	v6 =	vadd.f32 v6, v6  }
0xa7: {  	v24 =	vld [tilespmem:s24+$0xFFFFFFE0];
	v15 =	vmul.f32 v12, v15;
	v25 =	vmul.f32 v12, v12  }
0xa8: {  	v11 =	vmul.f32 v11, v8;
	v12 =	vmul.f32 v12, v8;
	v26 =	vld [tilespmem:s23+$0x30]  }
0xa9: {  	v2 =	vadd.f32 v2, v3;
	v8 =	vmul.f32 v8, v8;
	v3 =	vmul.f32 v7, v7;
	v27 =	vld [tilespmem:s22+$0xFFFFFFF0]  }
0xaa: {  	v11 =	vadd.f32 v11, v15;
	v12 =	vsub.f32 v22, v12;
	v15 =	vld [tilespmem:s25+$0x0];
	v22 =	vmul.f32 v14, v7  }
0xab: {  	v8 =	vadd.f32 v8, v18;
	v7 =	vmul.f32 v13, v7;
	v13 =	vmul.f32 v13, v19  }
0xac: {  	v16 =	vadd.f32 v20, v16;
	v11 =	vmul.f32 v11, v24;
	v12 =	vmul.f32 v12, v21  }
0xad: {  	v18 =	vmul.f32 v19, v19;
	v13 =	vsub.f32 v13, v22;
	v20 =	vld [tilespmem:s25+$0x10];
	v10 =	vmul.f32 v26, v10  }
0xae: {  	v14 =	vmul.f32 v14, v19;
	v21 =	vadd.f32 v23, v25;
	v11 =	vadd.f32 v12, v11;
	v12 =	vld [tilespmem:s24+$0x0]  }
0xaf: {  	v3 =	vadd.f32 v3, v18;
	v18 =	vmul.f32 v26, v27;
	v13 =	vmul.f32 v13, v15;
	v15 =	vld [tilespmem:s24+$0x10]  }
0xb0: {  	v8 =	vadd.f32 v21, v8;
	v5 =	vmul.f32 v5, v27;
	v11 =	vadd.f32 v11, v11  }
0xb1: {  	v7 =	vadd.f32 v7, v14;
	v14 =	vmul.f32 v26, v26;
	v9 =	vsub.f32 v18, v9  }
0xb2: {  	v5 =	vadd.f32 v10, v5;
	v10 =	vmul.f32 v27, v27;
	v8 =	vsub.f32 v8, v11  }
0xb3: {  	v3 =	vadd.f32 v16, v3;
	v9 =	vmul.f32 v9, v20;
	v7 =	vmul.f32 v7, v12  }
0xb4: {  	v1 =	vadd.f32 v2, v1;
	v2 =	vadd.f32 v17, v10;
	v5 =	vmul.f32 v5, v15  }
0xb5: {  	v4 =	vadd.f32 v14, v4;
	v7 =	vadd.f32 v13, v7  }
0xb6: {  	v1 =	vsub.f32 v1, v6;
	v5 =	vadd.f32 v9, v5  }
0xb7: {  	v2 =	vadd.f32 v4, v2;
	v6 =	vadd.f32 v7, v7  }
0xb8: {  	v4 =	vadd.f32 v5, v5  }
0xb9: {  	v1 =	vadd.f32 v1, v8;
	v3 =	vsub.f32 v3, v6  }
0xba: {  	v2 =	vsub.f32 v2, v4  }
0xbb: {  	v1 =	vadd.f32 v3, v1;
	_ =	sdelay $0x1  }
0xbc: {  	v1 =	vadd.f32 v2, v1;
	_ =	sdelay $0x1  }
0xbd: {  	(xrf2) =	vadd.scan.msk.f32 $0xffff, v1  }
.Ltmp1:
0xbe: {  	(pc) =	sbr.rel @p0 .LBB2_4-.Ltmp1, $2  }
0xbf: {  	_ =	sdelay $0x2  }
0xc0: {  	s28 =	smov.u32 s26;
	s25 =	sadd.s32 $0x40, s25;
	s24 =	sadd.s32 $0x40, s24  }
0xc1: {  	_ =	sdelay $0x3  }
0xc2: {  	v1, _, _ =	vpop (xrf2)  }
0xc3: {  	[tilespmem:v0+s19+$0x0] =	vst.idx.msk vm0, v1  }
0xc4: {  	v0 =	vld [tilespmem:$0xE180]  }
0xc5: {  	v1 =	vld [tilespmem:$0xE190];
	_ =	sdelay $0x1  }
0xc6: {  	v2 =	vld [tilespmem:$0xE1A0];
	_ =	sdelay $0x1  }
0xc7: {  	v0 =	vmax.f32 v0, $0.0e+00  }
0xc8: {  	v1 =	vmax.f32 v1, $0.0e+00;
	v3 =	vshra.s32 v0, $0x1;
	v4 =	vmul.f32 $5.000000000e-01, v0  }
0xc9: {  	v5 =	vshra.s32 v1, $0x1;
	v6 =	vmul.f32 $5.000000000e-01, v1;
	v3 =	vsub.s32 $0x5F3759DF, v3  }
0xca: {  	v31 =	vld [tilespmem:$0xE1C0];
	v2 =	vmax.f32 v2, $0.0e+00;
	v5 =	vsub.s32 $0x5F3759DF, v5;
	v7 =	vmul.f32 v3, v4  }
0xcb: {  	v16 =	vld [tilespmem:$0xE1F0];
	v9 =	vshra.s32 v2, $0x1;
	v10 =	vmul.f32 $5.000000000e-01, v2;
	v8 =	vmul.f32 v5, v6  }
0xcc: {  	v24 =	vld [tilespmem:$0xE1B0];
	v9 =	vsub.s32 $0x5F3759DF, v9;
	v7 =	vmul.f32 v3, v7  }
0xcd: {  	v11 =	vmul.f32 v9, v10;
	v8 =	vmul.f32 v5, v8  }
0xce: {  	v7 =	vsub.f32 $1.500000000e+00, v7  }
0xcf: {  	v32 =	vld [tilespmem:$0xE1D0];
	v36 =	vmax.f32 v31, $0.0e+00;
	v23 =	vmul.f32 v9, v11;
	v8 =	vsub.f32 $1.500000000e+00, v8  }
0xd0: {  	v16 =	vmax.f32 v16, $0.0e+00;
	v15 =	vmul.f32 $5.000000000e-01, v36;
	v3 =	vmul.f32 v3, v7  }
0xd1: {  	v5 =	vmul.f32 v5, v8;
	v7 =	vsub.f32 $1.500000000e+00, v23;
	v8 =	vmax.f32 v24, $0.0e+00  }
0xd2: {  	v33 =	vld [tilespmem:$0xE1E0];
	v24 =	vshra.s32 v16, $0x1;
	v13 =	vshra.s32 v8, $0x1;
	v14 =	vmul.f32 $5.000000000e-01, v8  }
0xd3: {  	v25 =	vmul.f32 v3, v4;
	v12 =	vmul.f32 v5, v6;
	v29 =	vsub.s32 $0x5F3759DF, v13  }
0xd4: {  	v7 =	vmul.f32 v9, v7;
	v13 =	vmax.f32 v32, $0.0e+00;
	v30 =	vmul.f32 v29, v14  }
0xd5: {  	v24 =	vsub.s32 $0x5F3759DF, v24;
	v19 =	vmul.f32 $5.000000000e-01, v13;
	v11 =	vmul.f32 v25, v3  }
0xd6: {  	v18 =	vshra.s32 v13, $0x1;
	v26 =	vmul.f32 v12, v5;
	v27 =	vmul.f32 v7, v10  }
0xd7: {  	v12 =	vmax.f32 v33, $0.0e+00;
	v18 =	vsub.s32 $0x5F3759DF, v18;
	v25 =	vmul.f32 $5.000000000e-01, v16  }
0xd8: {  	v20 =	vshra.s32 v12, $0x1;
	v21 =	vmul.f32 $5.000000000e-01, v12;
	v22 =	vmul.f32 v18, v19  }
0xd9: {  	v11 =	vsub.f32 $1.500000000e+00, v11;
	v28 =	vmul.f32 v27, v7;
	v20 =	vsub.s32 $0x5F3759DF, v20  }
0xda: {  	v9 =	vsub.f32 $1.500000000e+00, v26;
	v37 =	vmul.f32 v24, v25;
	v23 =	vmul.f32 v20, v21  }
0xdb: {  	v22 =	vmul.f32 v18, v22;
	v3 =	vmul.f32 v11, v3  }
0xdc: {  	v5 =	vmul.f32 v9, v5;
	v11 =	vsub.f32 $1.500000000e+00, v28;
	v9 =	vmul.f32 v29, v30  }
0xdd: {  	v23 =	vmul.f32 v20, v23;
	v4 =	vmul.f32 v3, v4  }
0xde: {  	v6 =	vmul.f32 v5, v6;
	v7 =	vmul.f32 v11, v7;
	v11 =	vshra.s32 v36, $0x1  }
0xdf: {  	v9 =	vsub.f32 $1.500000000e+00, v9;
	v11 =	vsub.s32 $0x5F3759DF, v11;
	v4 =	vmul.f32 v4, v3  }
0xe0: {  	v39 =	vsub.f32 $1.500000000e+00, v23;
	v6 =	vmul.f32 v6, v5;
	v17 =	vmul.f32 v11, v15  }
0xe1: {  	v38 =	vsub.f32 $1.500000000e+00, v22;
	v10 =	vmul.f32 v7, v10;
	v9 =	vmul.f32 v29, v9  }
0xe2: {  	v41 =	vmul.f32 v20, v39;
	v4 =	vsub.f32 $1.500000000e+00, v4;
	v17 =	vmul.f32 v11, v17  }
0xe3: {  	v6 =	vsub.f32 $1.500000000e+00, v6;
	v34 =	vmul.f32 v10, v7;
	v35 =	vmul.f32 v9, v14  }
0xe4: {  	v22 =	vmul.f32 v41, v21;
	v3 =	vmul.f32 v4, v3;
	v17 =	vsub.f32 $1.500000000e+00, v17  }
0xe5: {  	v5 =	vmul.f32 v6, v5;
	v4 =	vsub.f32 $1.500000000e+00, v34;
	v6 =	vmul.f32 v35, v9  }
0xe6: {  	v11 =	vmul.f32 v11, v17;
	v17 =	vmul.f32 v24, v37  }
0xe7: {  	v4 =	vmul.f32 v4, v7;
	v7 =	vmul.f32 v18, v38  }
0xe8: {  	v22 =	vmul.f32 v22, v41;
	v40 =	vmul.f32 v11, v15;
	v17 =	vsub.f32 $1.500000000e+00, v17  }
0xe9: {  	v6 =	vsub.f32 $1.500000000e+00, v6;
	v3 =	vmul.f32 v3, v0;
	v43 =	vmul.f32 v7, v19  }
0xea: {  	vm1 =	vgt.f32 v0, $0.0e+00;
	v42 =	vmul.f32 v40, v11;
	v17 =	vmul.f32 v24, v17  }
0xeb: {  	v5 =	vmul.f32 v5, v1;
	v22 =	vsub.f32 $1.500000000e+00, v22;
	v6 =	vmul.f32 v6, v9  }
0xec: {  	v20 =	vmul.f32 v43, v7;
	v9 =	vsub.f32 $1.500000000e+00, v42;
	v44 =	vmul.f32 v17, v25  }
0xed: {  	v3 =	vsub.f32 $0.0e+00, v3;
	v5 =	vsub.f32 $0.0e+00, v5;
	v46 =	vmul.f32 v22, v41  }
0xee: {  	v20 =	vsub.f32 $1.500000000e+00, v20;
	v9 =	vmul.f32 v9, v11;
	v11 =	vmul.f32 v44, v17  }
0xef: {  	v45 =	vmul.f32 v6, v14;
	v3 =	vnsel vm1, $0x0, v3;
	vm1 =	vgt.f32 v1, $0.0e+00  }
0xf0: {  	v49 =	vmul.f32 v46, v21;
	v7 =	vmul.f32 v20, v7;
	v11 =	vsub.f32 $1.500000000e+00, v11  }
0xf1: {  	v5 =	vnsel vm1, $0x0, v5;
	v0 =	vmul.f32 v45, v6;
	v47 =	vmul.f32 v9, v15  }
0xf2: {  	vm1 =	vgt.f32 v2, $0.0e+00;
	v48 =	vmul.f32 v7, v19;
	v11 =	vmul.f32 v11, v17  }
0xf3: {  	v2 =	vmul.f32 v4, v2;
	v0 =	vsub.f32 $1.500000000e+00, v0;
	v1 =	vmul.f32 v47, v9  }
0xf4: {  	v15 =	vmul.f32 v48, v7;
	v50 =	vmul.f32 v11, v25  }
0xf5: {  	v0 =	vmul.f32 v0, v6;
	v17 =	vmul.f32 v49, v46;
	v1 =	vsub.f32 $1.500000000e+00, v1  }
0xf6: {  	v2 =	vsub.f32 $0.0e+00, v2;
	v51 =	vsub.f32 $1.500000000e+00, v15;
	v53 =	vmul.f32 v50, v11  }
0xf7: {  	v0 =	vmul.f32 v0, v8;
	v52 =	vsub.f32 $1.500000000e+00, v17;
	v1 =	vmul.f32 v1, v9  }
0xf8: {  	v2 =	vnsel vm1, $0x0, v2;
	v4 =	vmul.f32 v51, v7;
	v54 =	vsub.f32 $1.500000000e+00, v53  }
0xf9: {  	v0 =	vsub.f32 $0.0e+00, v0;
	v6 =	vmul.f32 v52, v46;
	v1 =	vmul.f32 v1, v36  }
0xfa: {  	[tilespmem:$0xE200] =	vst v3;
	vm1 =	vgt.f32 v8, $0.0e+00;
	v4 =	vmul.f32 v4, v13;
	v55 =	vmul.f32 v54, v11  }
0xfb: {  	[tilespmem:$0xE210] =	vst v5;
	v0 =	vnsel vm1, $0x0, v0;
	v56 =	vmul.f32 v6, v12;
	v1 =	vsub.f32 $0.0e+00, v1  }
0xfc: {  	[tilespmem:$0xE220] =	vst v2;
	vm1 =	vgt.f32 v36, $0.0e+00;
	v57 =	vsub.f32 $0.0e+00, v4;
	v3 =	vmul.f32 v55, v16  }
0xfd: {  	[tilespmem:$0xE230] =	vst v0;
	v59 =	vsub.f32 $0.0e+00, v56;
	v58 =	vnsel vm1, $0x0, v1;
	vm1 =	vgt.f32 v13, $0.0e+00  }
0xfe: {  	[tilespmem:$0xE240] =	vst v58;
	v60 =	vnsel vm1, $0x0, v57;
	vm1 =	vgt.f32 v12, $0.0e+00;
	v61 =	vsub.f32 $0.0e+00, v3  }
0xff: {  	s21 =	sadd.s32 $0x1, s21;
	[tilespmem:$0xE250] =	vst v60;
	v62 =	vnsel vm1, $0x0, v59;
	vm1 =	vgt.f32 v16, $0.0e+00  }
0x100: {  	p0 =	sne.s32 s21, s9;
	[tilespmem:$0xE260] =	vst v62;
	v63 =	vnsel vm1, $0x0, v61  }
.Ltmp2:
0x101: {  	[tilespmem:$0xE270] =	vst v63;
	(pc) =	sbr.rel @p0 .LBB2_1-.Ltmp2, $4  }
0x102: {  	[hbm4b:s8+s3] =	stream.linear.scatter [tilespmem:s20], [sflag:$0x4], $0x80, $0x38;
	[tilespmem:$0xE280] =	vst v63  }
0x103: {  	_ =	swait.ge [sflag:s10], $0x80  }
0x104: {  	[sflag:s10] =	ssyncset.done $0x0  }
0x105: {  	[sflag:s10] =	ssyncadd.s32 $0xFFFFFF80  }
0x106: {  	_ =	sfence.sel $0x180000  }
0x107: {  	[bflag:$0x0] =	sbarrier.arrive $0xFFFF  }
0x108: {  	p0 =	sne.s32 s2, $0x0;
	_ =	strace $0x90000047  }
0x109: {  	s0 =	sadd.s32 @!p0 $0x100000, s0;
	[bflag:$0x2] =	sbarrier.arrive $0xFFFF  }
0x10a: {  	[sflag:s0] =	ssyncadd.tile.s32 @!p0 $0x1;
	_ =	shalt  }
.Lfunc_end2:
_tile_overlayer_lowered:
.L_overlay_start_2:
0x10b: {  	(tag) =	ssettag $0x2  }
0x10c: {  	s0 =	rddreg [dreg:$0x0];
	s2 =	stileid.u32  }
0x10d: {  	s1 =	rddreg [dreg:$0x1];
	p0 =	sne.s32 s2, $0x0  }
0x10e: {  	s3 =	rddreg [dreg:$0x2];
	[bflag:$0x3] =	sbarrier.arrive $0xFFFF;
	s2 =	simm.s32 @!p0 $0x1C04  }
0x10f: {  	[timem:s3], [sflag:s2] =	dma.local @!p0 [hbm:s0], s1  }
0x110: {  	s0 =	simm.s32 @!p0 $0x4  }
0x111: {  	_ =	swait.ge @!p0 [sflag:s0], s1  }
0x112: {  	s1 =	ssub.s32 @!p0 $0x0, s1;
	[sflag:s0] =	ssyncset.done @!p0 $0x0  }
0x113: {  	[sflag:s0] =	ssyncadd.s32 @!p0 s1  }
0x114: {  	[bflag:$0x3] =	sbarrier.arrive $0xFFFF  }
0x115: {  	_ =	shalt  }

</sc_bundles>
